<compile_context>
chip_gen: v7x
topology: tpu7x:2x2x1
jax: 0.10.2.dev20260603
libtpu: 0.0.44.dev20260713+nightly
codegen_flags: <defaults>
</compile_context>

<pallas_src>
import functools

import jax
import jax.numpy as jnp
from jax import lax
from jax.experimental import pallas as pl
from jax.experimental.pallas import tpu as pltpu
from jax.experimental.pallas import tpu_sc as plsc

M = 8192
D = 64
HID = 512

TB_A = 512
MB_A = 512
GB_A = 2048
TB_B = 256
MB_B = 512


def _argmin_body(x_ref, eT2_ref, e2_ref, x2_ref, colf_ref, idx_ref, vq_ref):
    x = x_ref[...]
    x2 = x2_ref[...][:, None]

    r = jnp.full((TB_A,), jnp.inf, jnp.float32)
    ans = jnp.zeros((TB_A,), jnp.float32)
    vqv = jnp.zeros((TB_A,), jnp.float32)
    for g in range(M // GB_A):
        gm = jnp.full((TB_A,), jnp.inf, jnp.float32)
        gi = jnp.zeros((TB_A,), jnp.float32)
        for c_i in range(GB_A // MB_A):
            k = g * (GB_A // MB_A) + c_i
            eT2 = eT2_ref[:, k * MB_A:(k + 1) * MB_A]
            c2 = lax.dot_general(x, eT2, (((1,), (0,)), ((), ())),
                                 preferred_element_type=jnp.float32)
            e2 = e2_ref[k * MB_A:(k + 1) * MB_A][None, :]
            d = (e2 + x2) - c2
            bmin = jnp.min(d, axis=1)
            cf = colf_ref[k * MB_A:(k + 1) * MB_A][None, :]
            bidx = jnp.min(jnp.where(d == bmin[:, None], cf, 1e9), axis=1)
            better = bmin < gm
            gm = jnp.where(better, bmin, gm)
            gi = jnp.where(better, bidx, gi)
        acc = gm < r
        r = jnp.where(acc, gm.astype(jnp.bfloat16).astype(jnp.float32), r)
        ans = jnp.where(acc, gi, ans)
        vqv = jnp.where(acc, gm, vqv)
    idx_ref[...] = ans.astype(jnp.int32)
    vq_ref[...] = vqv


def _argmin_call(x_flat, embT2, e2, x2, colf):
    n = x_flat.shape[0]
    return pl.pallas_call(
        _argmin_body,
        grid=(n // TB_A,),
        in_specs=[
            pl.BlockSpec((TB_A, D), lambda i: (i, 0)),
            pl.BlockSpec((D, M), lambda i: (0, 0)),
            pl.BlockSpec((M,), lambda i: (0,)),
            pl.BlockSpec((TB_A,), lambda i: (i,)),
            pl.BlockSpec((M,), lambda i: (0,)),
        ],
        out_specs=[
            pl.BlockSpec((TB_A,), lambda i: (i,)),
            pl.BlockSpec((TB_A,), lambda i: (i,)),
        ],
        out_shape=[
            jax.ShapeDtypeStruct((n,), jnp.int32),
            jax.ShapeDtypeStruct((n,), jnp.float32),
        ],
    )(x_flat, embT2, e2, x2, colf)


def _sc_gather_call(table, idx):
    n = idx.shape[0]
    w = table.shape[1]
    info = plsc.get_sparse_core_info()
    nw = info.num_cores * info.num_subcores
    bpw = n // nw
    chunk = bpw
    while chunk * w * 4 > 262144:
        chunk //= 2
    nch = bpw // chunk
    mesh = plsc.VectorSubcoreMesh(core_axis_name="c", subcore_axis_name="s")

    @functools.partial(
        pl.kernel, mesh=mesh,
        out_type=jax.ShapeDtypeStruct((n, w), jnp.float32),
        scratch_types=[
            pltpu.VMEM((chunk,), jnp.int32),
            pltpu.VMEM((chunk, w), jnp.float32),
            pltpu.SemaphoreType.DMA,
        ],
    )
    def gather_kernel(table_hbm, idx_hbm, out_hbm, idx_v, rows_v, sem):
        wid = lax.axis_index("s") * info.num_cores + lax.axis_index("c")
        for t_i in range(nch):
            base = wid * bpw + t_i * chunk
            pltpu.sync_copy(idx_hbm.at[pl.ds(base, chunk)], idx_v)
            pltpu.async_copy(table_hbm.at[idx_v], rows_v, sem).wait()
            pltpu.sync_copy(rows_v, out_hbm.at[pl.ds(base, chunk)])

    return gather_kernel(table, idx)


DP = 128


def _quantized_gather(embedding, idx):
    table_p = jnp.pad(embedding, ((0, 0), (0, DP - embedding.shape[1])))
    return _sc_gather_call(table_p, idx)[:, :D]


def _decoder_body(x_ref, w2lab_ref, msk_ref, vq_ref, g1_ref, b1_ref, w1T_ref,
                  g2_ref, b2_ref, w2T_ref, loss_ref):
    x = x_ref[...]
    mu = jnp.mean(x, axis=1, keepdims=True)
    var = jnp.mean((x - mu) ** 2, axis=1, keepdims=True)
    h = (x - mu) / jnp.sqrt(var + 1e-5) * g1_ref[...][None, :] + b1_ref[...][None, :]
    h = jnp.maximum(h, 0.0)
    a = jnp.dot(h, w1T_ref[...], preferred_element_type=jnp.float32)
    mu2 = jnp.mean(a, axis=1, keepdims=True)
    var2 = jnp.mean((a - mu2) ** 2, axis=1, keepdims=True)
    h2 = (a - mu2) / jnp.sqrt(var2 + 1e-5) * g2_ref[...][None, :] + b2_ref[...][None, :]
    h2 = jnp.maximum(h2, 0.0)

    s = jnp.zeros((x.shape[0],), jnp.float32)
    for k in range(M // MB_B):
        w2T = w2T_ref[:, k * MB_B:(k + 1) * MB_B]
        logits = jnp.dot(h2, w2T, preferred_element_type=jnp.float32)
        s = s + jnp.sum(jnp.exp(logits - 20.0), axis=1)
    lse = 20.0 + jnp.log(s)
    picked = jnp.sum(h2 * w2lab_ref[...], axis=1)
    valid = msk_ref[...] == 0
    recon = jnp.where(valid, lse - picked, 0.0)
    loss_ref[...] = recon + 0.25 * vq_ref[...]


def _decoder_call(x_flat, w2lab, mask_i32, vqmin, g1, b1, W1T, g2, b2, W2T):
    n = x_flat.shape[0]
    const1 = lambda i: (0,)
    return pl.pallas_call(
        _decoder_body,
        grid=(n // TB_B,),
        in_specs=[
            pl.BlockSpec((TB_B, D), lambda i: (i, 0)),
            pl.BlockSpec((TB_B, HID), lambda i: (i, 0)),
            pl.BlockSpec((TB_B,), lambda i: (i,)),
            pl.BlockSpec((TB_B,), lambda i: (i,)),
            pl.BlockSpec((D,), const1),
            pl.BlockSpec((D,), const1),
            pl.BlockSpec((D, HID), lambda i: (0, 0)),
            pl.BlockSpec((HID,), const1),
            pl.BlockSpec((HID,), const1),
            pl.BlockSpec((HID, M), lambda i: (0, 0)),
        ],
        out_specs=pl.BlockSpec((TB_B,), lambda i: (i,)),
        out_shape=jax.ShapeDtypeStruct((n,), jnp.float32),
    )(x_flat, w2lab, mask_i32, vqmin, g1, b1, W1T, g2, b2, W2T)


def kernel(dense_x, dense_padding_mask, labels, embedding, ln1_g, ln1_b, W1,
           ln2_g, ln2_b, W2):
    b, t, d = dense_x.shape
    n = b * t
    x_flat = dense_x.reshape(n, d)
    e2 = jnp.sum(embedding ** 2, axis=1)
    x2 = jnp.sum(x_flat ** 2, axis=1)
    colf = jnp.arange(M, dtype=jnp.float32)
    labels_i = labels.reshape(n).astype(jnp.int32)
    w2lab = _sc_gather_call(W2, labels_i)
    idx, vqmin = _argmin_call(x_flat, (embedding * 2.0).T, e2, x2, colf)
    quantized = _quantized_gather(embedding, idx)
    loss = _decoder_call(
        x_flat, w2lab,
        dense_padding_mask.reshape(n).astype(jnp.int32),
        vqmin, ln1_g, ln1_b, W1.T, ln2_g, ln2_b, W2.T,
    )
    return (quantized.reshape(b, t, d), dense_padding_mask, loss.reshape(b, t))

# --- scband reference (transcript-rebuilt; emitter-appended) ---
"""Pipeline reference for scband-vector-quantizer-7267084665645 (READ-ONLY COPY).

The authoritative reference and input builder live on the scoring server;
editing this copy changes nothing except your own understanding.
"""

import jax, jax.numpy as jnp
import numpy as np

M = 8192   # codebook size
D = 64     # output_dim / code dim
HID = 512
B, T = 4, 2048


def layer_norm(x, g, b, eps=1e-5):
    mu = jnp.mean(x, axis=-1, keepdims=True)
    var = jnp.var(x, axis=-1, keepdims=True)
    return (x - mu) / jnp.sqrt(var + eps) * g + b


def setup_inputs(seed: int = 0) -> dict:
    key = jax.random.key(seed)
    ks = jax.random.split(key, 8)
    dense_x = jax.random.normal(ks[0], (B, T, D), dtype=jnp.float32)
    dense_padding_mask = jax.random.randint(ks[1], (B, T), 0, 2).astype(bool)
    labels = jax.random.randint(ks[2], (B, T), 0, M).astype(jnp.int64)
    init_bound = 1.0 / 512
    embedding = jax.random.uniform(ks[3], (M, D), dtype=jnp.float32, minval=-init_bound, maxval=init_bound)
    ln1_g = jnp.ones((D,), jnp.float32)
    ln1_b = jnp.zeros((D,), jnp.float32)
    W1 = jax.random.normal(ks[4], (HID, D), dtype=jnp.float32) * (1.0 / np.sqrt(D))
    ln2_g = jnp.ones((HID,), jnp.float32)
    ln2_b = jnp.zeros((HID,), jnp.float32)
    W2 = jax.random.normal(ks[5], (M, HID), dtype=jnp.float32) * (1.0 / np.sqrt(HID))
    return {
        'dense_x': dense_x,
        'dense_padding_mask': dense_padding_mask,
        'labels': labels,
        'embedding': embedding,
        'ln1_g': ln1_g, 'ln1_b': ln1_b,
        'W1': W1,
        'ln2_g': ln2_g, 'ln2_b': ln2_b,
        'W2': W2,
    }


def reference(dense_x, dense_padding_mask, labels, embedding, ln1_g, ln1_b, W1, ln2_g, ln2_b, W2):
    x = dense_x
    # --- VQEmbeddingEMA forward (eval mode: no EMA buffer updates) ---
    x_flat = jax.lax.stop_gradient(x).reshape(-1, D)
    distances = (jnp.sum(embedding ** 2, axis=1)[None, :]
                 + jnp.sum(x_flat ** 2, axis=1, keepdims=True)
                 - 2.0 * (x_flat @ embedding.T))
    indices = jnp.argmin(distances.astype(jnp.float32), axis=-1)
    quantized = jnp.take(embedding, indices, axis=0).reshape(x.shape)
    e_latent_loss = (x - jax.lax.stop_gradient(quantized)) ** 2
    vq_loss = 0.25 * e_latent_loss
    quantized_st = x + jax.lax.stop_gradient(quantized - x)
    # --- decoder: LayerNorm -> ReLU -> Linear(D,512) -> LayerNorm -> ReLU -> Linear(512,M) ---
    h = layer_norm(x, ln1_g, ln1_b)
    h = jax.nn.relu(h)
    h = h @ W1.T
    h = layer_norm(h, ln2_g, ln2_b)
    h = jax.nn.relu(h)
    out = h @ W2.T  # [B, T, M]
    # labels[dense_padding_mask] = -1
    labels_m = jnp.where(dense_padding_mask, -1, labels)
    logp = jax.nn.log_softmax(out, axis=-1)
    valid = labels_m != -1
    safe = jnp.where(valid, labels_m, 0)
    recon_loss = -jnp.take_along_axis(logp, safe[..., None], axis=-1)[..., 0]
    recon_loss = jnp.where(valid, recon_loss, 0.0)  # ignore_index=-1, reduction='none'
    loss = recon_loss + vq_loss.sum(-1)
    return (quantized_st, dense_padding_mask, loss)

if __name__ == "__main__":
    import jax
    _d = setup_inputs()
    print(jax.jit(kernel)(*tuple(_d.values())))

</pallas_src>

<mosaic_0001>
#map = affine_map<(d0, d1) -> (0, 0)>
#map1 = affine_map<(d0, d1) -> (0)>
module attributes {stable_mosaic.version = 14 : i64} {
  func.func @gather_kernel(%arg0: i32, %arg1: i32, %arg2: memref<8192x512xf32, #tpu.memory_space<hbm>>, %arg3: memref<8192xi32, #tpu.memory_space<hbm>>, %arg4: memref<8192x512xf32, #tpu.memory_space<hbm>>, %arg5: memref<128xi32, #tpu.memory_space<vmem>>, %arg6: memref<128x512xf32, #tpu.memory_space<vmem>>, %arg7: memref<!tpu.dma_semaphore, #tpu.memory_space<semaphore_mem>>) attributes {dimension_semantics = [#tpu.dimension_semantics<core_parallel>, #tpu.dimension_semantics<subcore_parallel>], iteration_bounds = array<i64: 2, 16>, scalar_prefetch = 0 : i64, scratch_operands = 3 : i64, tpu.core_type = #tpu.core_type<sc_vector_subcore>, window_params = [{transform_indices = #map}, {transform_indices = #map1}, {transform_indices = #map}]} {
    %mul3A = arith.constant 2 : i32
    %mul3A_0 = arith.muli %arg1, %mul3A : i32
    %add3A = arith.addi %mul3A_0, %arg0 : i32
    %mul3A_1 = arith.constant 256 : i32
    %mul3A_2 = arith.muli %add3A, %mul3A_1 : i32
    %add3A_3 = arith.constant 0 : i32
    %add3A_4 = arith.addi %mul3A_2, %add3A_3 : i32
    "tpu.region"() ({
      %run_scoped3A = tpu.sem_alloc : memref<!tpu.dma_semaphore, #tpu.memory_space<semaphore_mem>>
      %dma_start3A_19 = tpu.memref_slice %arg3[%add3A_4] : memref<8192xi32, #tpu.memory_space<hbm>> -> memref<128xi32, #tpu.memory_space<hbm>>
      %dma_start3A_20 = tpu.memref_slice %arg3[%add3A_4] : memref<8192xi32, #tpu.memory_space<hbm>> -> memref<128xi32, #tpu.memory_space<hbm>>
      tpu.enqueue_dma source(%dma_start3A_20 : memref<128xi32, #tpu.memory_space<hbm>>) target(%arg5 : memref<128xi32, #tpu.memory_space<vmem>>) target_semaphore(%run_scoped3A : memref<!tpu.dma_semaphore, #tpu.memory_space<semaphore_mem>>)
      %dma_wait3A_21 = tpu.memref_slice %arg3[%add3A_4] : memref<8192xi32, #tpu.memory_space<hbm>> -> memref<128xi32, #tpu.memory_space<hbm>>
      %dma_wait3A_22 = tpu.memref_slice %arg3[%add3A_4] : memref<8192xi32, #tpu.memory_space<hbm>> -> memref<128xi32, #tpu.memory_space<hbm>>
      tpu.wait_dma2 semaphore(%run_scoped3A : memref<!tpu.dma_semaphore, #tpu.memory_space<semaphore_mem>>) src(%dma_wait3A_22 : memref<128xi32, #tpu.memory_space<hbm>>) dst(%arg5 : memref<128xi32, #tpu.memory_space<vmem>>)
      tpu.yield
    }) : () -> ()
    %dma_start3A = arith.constant 0 : i32
    %dma_start3A_5 = arith.constant 0 : i32
    %dma_start3A_6 = tpu.memref_slice %arg2[%dma_start3A, %dma_start3A_5] : memref<8192x512xf32, #tpu.memory_space<hbm>> -> memref<8192x512xf32, #tpu.memory_space<hbm>>
    tpu.enqueue_indirect_dma source(%dma_start3A_6 : memref<8192x512xf32, #tpu.memory_space<hbm>>) target(%arg6 : memref<128x512xf32, #tpu.memory_space<vmem>>) offsets(%arg5 : memref<128xi32, #tpu.memory_space<vmem>>) semaphore(%arg7 : memref<!tpu.dma_semaphore, #tpu.memory_space<semaphore_mem>>)
    %dma_wait3A = arith.constant 0 : i32
    %dma_wait3A_7 = arith.constant 0 : i32
    %dma_wait3A_8 = tpu.memref_slice %arg2[%dma_wait3A, %dma_wait3A_7] : memref<8192x512xf32, #tpu.memory_space<hbm>> -> memref<8192x512xf32, #tpu.memory_space<hbm>>
    tpu.wait_indirect_dma semaphore(%arg7 : memref<!tpu.dma_semaphore, #tpu.memory_space<semaphore_mem>>) src(%dma_wait3A_8 : memref<8192x512xf32, #tpu.memory_space<hbm>>) dst(%arg6 : memref<128x512xf32, #tpu.memory_space<vmem>>)
    "tpu.region"() ({
      %run_scoped3A = tpu.sem_alloc : memref<!tpu.dma_semaphore, #tpu.memory_space<semaphore_mem>>
      %dma_start3A_19 = arith.constant 0 : i32
      %dma_start3A_20 = tpu.memref_slice %arg4[%add3A_4, %dma_start3A_19] : memref<8192x512xf32, #tpu.memory_space<hbm>> -> memref<128x512xf32, #tpu.memory_space<hbm>>
      %dma_start3A_21 = arith.constant 0 : i32
      %dma_start3A_22 = tpu.memref_slice %arg4[%add3A_4, %dma_start3A_21] : memref<8192x512xf32, #tpu.memory_space<hbm>> -> memref<128x512xf32, #tpu.memory_space<hbm>>
      tpu.enqueue_dma source(%arg6 : memref<128x512xf32, #tpu.memory_space<vmem>>) target(%dma_start3A_22 : memref<128x512xf32, #tpu.memory_space<hbm>>) target_semaphore(%run_scoped3A : memref<!tpu.dma_semaphore, #tpu.memory_space<semaphore_mem>>)
      %dma_wait3A_23 = arith.constant 0 : i32
      %dma_wait3A_24 = tpu.memref_slice %arg4[%add3A_4, %dma_wait3A_23] : memref<8192x512xf32, #tpu.memory_space<hbm>> -> memref<128x512xf32, #tpu.memory_space<hbm>>
      %dma_wait3A_25 = arith.constant 0 : i32
      %dma_wait3A_26 = tpu.memref_slice %arg4[%add3A_4, %dma_wait3A_25] : memref<8192x512xf32, #tpu.memory_space<hbm>> -> memref<128x512xf32, #tpu.memory_space<hbm>>
      tpu.wait_dma2 semaphore(%run_scoped3A : memref<!tpu.dma_semaphore, #tpu.memory_space<semaphore_mem>>) src(%arg6 : memref<128x512xf32, #tpu.memory_space<vmem>>) dst(%dma_wait3A_26 : memref<128x512xf32, #tpu.memory_space<hbm>>)
      tpu.yield
    }) : () -> ()
    %mul3A_9 = arith.constant 256 : i32
    %mul3A_10 = arith.muli %add3A, %mul3A_9 : i32
    %add3A_11 = arith.constant 128 : i32
    %add3A_12 = arith.addi %mul3A_10, %add3A_11 : i32
    "tpu.region"() ({
      %run_scoped3A = tpu.sem_alloc : memref<!tpu.dma_semaphore, #tpu.memory_space<semaphore_mem>>
      %dma_start3A_19 = tpu.memref_slice %arg3[%add3A_12] : memref<8192xi32, #tpu.memory_space<hbm>> -> memref<128xi32, #tpu.memory_space<hbm>>
      %dma_start3A_20 = tpu.memref_slice %arg3[%add3A_12] : memref<8192xi32, #tpu.memory_space<hbm>> -> memref<128xi32, #tpu.memory_space<hbm>>
      tpu.enqueue_dma source(%dma_start3A_20 : memref<128xi32, #tpu.memory_space<hbm>>) target(%arg5 : memref<128xi32, #tpu.memory_space<vmem>>) target_semaphore(%run_scoped3A : memref<!tpu.dma_semaphore, #tpu.memory_space<semaphore_mem>>)
      %dma_wait3A_21 = tpu.memref_slice %arg3[%add3A_12] : memref<8192xi32, #tpu.memory_space<hbm>> -> memref<128xi32, #tpu.memory_space<hbm>>
      %dma_wait3A_22 = tpu.memref_slice %arg3[%add3A_12] : memref<8192xi32, #tpu.memory_space<hbm>> -> memref<128xi32, #tpu.memory_space<hbm>>
      tpu.wait_dma2 semaphore(%run_scoped3A : memref<!tpu.dma_semaphore, #tpu.memory_space<semaphore_mem>>) src(%dma_wait3A_22 : memref<128xi32, #tpu.memory_space<hbm>>) dst(%arg5 : memref<128xi32, #tpu.memory_space<vmem>>)
      tpu.yield
    }) : () -> ()
    %dma_start3A_13 = arith.constant 0 : i32
    %dma_start3A_14 = arith.constant 0 : i32
    %dma_start3A_15 = tpu.memref_slice %arg2[%dma_start3A_13, %dma_start3A_14] : memref<8192x512xf32, #tpu.memory_space<hbm>> -> memref<8192x512xf32, #tpu.memory_space<hbm>>
    tpu.enqueue_indirect_dma source(%dma_start3A_15 : memref<8192x512xf32, #tpu.memory_space<hbm>>) target(%arg6 : memref<128x512xf32, #tpu.memory_space<vmem>>) offsets(%arg5 : memref<128xi32, #tpu.memory_space<vmem>>) semaphore(%arg7 : memref<!tpu.dma_semaphore, #tpu.memory_space<semaphore_mem>>)
    %dma_wait3A_16 = arith.constant 0 : i32
    %dma_wait3A_17 = arith.constant 0 : i32
    %dma_wait3A_18 = tpu.memref_slice %arg2[%dma_wait3A_16, %dma_wait3A_17] : memref<8192x512xf32, #tpu.memory_space<hbm>> -> memref<8192x512xf32, #tpu.memory_space<hbm>>
    tpu.wait_indirect_dma semaphore(%arg7 : memref<!tpu.dma_semaphore, #tpu.memory_space<semaphore_mem>>) src(%dma_wait3A_18 : memref<8192x512xf32, #tpu.memory_space<hbm>>) dst(%arg6 : memref<128x512xf32, #tpu.memory_space<vmem>>)
    "tpu.region"() ({
      %run_scoped3A = tpu.sem_alloc : memref<!tpu.dma_semaphore, #tpu.memory_space<semaphore_mem>>
      %dma_start3A_19 = arith.constant 0 : i32
      %dma_start3A_20 = tpu.memref_slice %arg4[%add3A_12, %dma_start3A_19] : memref<8192x512xf32, #tpu.memory_space<hbm>> -> memref<128x512xf32, #tpu.memory_space<hbm>>
      %dma_start3A_21 = arith.constant 0 : i32
      %dma_start3A_22 = tpu.memref_slice %arg4[%add3A_12, %dma_start3A_21] : memref<8192x512xf32, #tpu.memory_space<hbm>> -> memref<128x512xf32, #tpu.memory_space<hbm>>
      tpu.enqueue_dma source(%arg6 : memref<128x512xf32, #tpu.memory_space<vmem>>) target(%dma_start3A_22 : memref<128x512xf32, #tpu.memory_space<hbm>>) target_semaphore(%run_scoped3A : memref<!tpu.dma_semaphore, #tpu.memory_space<semaphore_mem>>)
      %dma_wait3A_23 = arith.constant 0 : i32
      %dma_wait3A_24 = tpu.memref_slice %arg4[%add3A_12, %dma_wait3A_23] : memref<8192x512xf32, #tpu.memory_space<hbm>> -> memref<128x512xf32, #tpu.memory_space<hbm>>
      %dma_wait3A_25 = arith.constant 0 : i32
      %dma_wait3A_26 = tpu.memref_slice %arg4[%add3A_12, %dma_wait3A_25] : memref<8192x512xf32, #tpu.memory_space<hbm>> -> memref<128x512xf32, #tpu.memory_space<hbm>>
      tpu.wait_dma2 semaphore(%run_scoped3A : memref<!tpu.dma_semaphore, #tpu.memory_space<semaphore_mem>>) src(%arg6 : memref<128x512xf32, #tpu.memory_space<vmem>>) dst(%dma_wait3A_26 : memref<128x512xf32, #tpu.memory_space<hbm>>)
      tpu.yield
    }) : () -> ()
    return
  }
}

#map = affine_map<(d0, d1) -> (0, 0)>
#map1 = affine_map<(d0, d1) -> (0)>
module attributes {stable_mosaic.version = 14 : i64} {
  func.func @gather_kernel(%arg0: i32, %arg1: i32, %arg2: memref<8192x128xf32, #tpu.memory_space<hbm>>, %arg3: memref<8192xi32, #tpu.memory_space<hbm>>, %arg4: memref<8192x128xf32, #tpu.memory_space<hbm>>, %arg5: memref<256xi32, #tpu.memory_space<vmem>>, %arg6: memref<256x128xf32, #tpu.memory_space<vmem>>, %arg7: memref<!tpu.dma_semaphore, #tpu.memory_space<semaphore_mem>>) attributes {dimension_semantics = [#tpu.dimension_semantics<core_parallel>, #tpu.dimension_semantics<subcore_parallel>], iteration_bounds = array<i64: 2, 16>, scalar_prefetch = 0 : i64, scratch_operands = 3 : i64, tpu.core_type = #tpu.core_type<sc_vector_subcore>, window_params = [{transform_indices = #map}, {transform_indices = #map1}, {transform_indices = #map}]} {
    %mul3A = arith.constant 2 : i32
    %mul3A_0 = arith.muli %arg1, %mul3A : i32
    %add3A = arith.addi %mul3A_0, %arg0 : i32
    %mul3A_1 = arith.constant 256 : i32
    %mul3A_2 = arith.muli %add3A, %mul3A_1 : i32
    %add3A_3 = arith.constant 0 : i32
    %add3A_4 = arith.addi %mul3A_2, %add3A_3 : i32
    "tpu.region"() ({
      %run_scoped3A = tpu.sem_alloc : memref<!tpu.dma_semaphore, #tpu.memory_space<semaphore_mem>>
      %dma_start3A_9 = tpu.memref_slice %arg3[%add3A_4] : memref<8192xi32, #tpu.memory_space<hbm>> -> memref<256xi32, #tpu.memory_space<hbm>>
      %dma_start3A_10 = tpu.memref_slice %arg3[%add3A_4] : memref<8192xi32, #tpu.memory_space<hbm>> -> memref<256xi32, #tpu.memory_space<hbm>>
      tpu.enqueue_dma source(%dma_start3A_10 : memref<256xi32, #tpu.memory_space<hbm>>) target(%arg5 : memref<256xi32, #tpu.memory_space<vmem>>) target_semaphore(%run_scoped3A : memref<!tpu.dma_semaphore, #tpu.memory_space<semaphore_mem>>)
      %dma_wait3A_11 = tpu.memref_slice %arg3[%add3A_4] : memref<8192xi32, #tpu.memory_space<hbm>> -> memref<256xi32, #tpu.memory_space<hbm>>
      %dma_wait3A_12 = tpu.memref_slice %arg3[%add3A_4] : memref<8192xi32, #tpu.memory_space<hbm>> -> memref<256xi32, #tpu.memory_space<hbm>>
      tpu.wait_dma2 semaphore(%run_scoped3A : memref<!tpu.dma_semaphore, #tpu.memory_space<semaphore_mem>>) src(%dma_wait3A_12 : memref<256xi32, #tpu.memory_space<hbm>>) dst(%arg5 : memref<256xi32, #tpu.memory_space<vmem>>)
      tpu.yield
    }) : () -> ()
    %dma_start3A = arith.constant 0 : i32
    %dma_start3A_5 = arith.constant 0 : i32
    %dma_start3A_6 = tpu.memref_slice %arg2[%dma_start3A, %dma_start3A_5] : memref<8192x128xf32, #tpu.memory_space<hbm>> -> memref<8192x128xf32, #tpu.memory_space<hbm>>
    tpu.enqueue_indirect_dma source(%dma_start3A_6 : memref<8192x128xf32, #tpu.memory_space<hbm>>) target(%arg6 : memref<256x128xf32, #tpu.memory_space<vmem>>) offsets(%arg5 : memref<256xi32, #tpu.memory_space<vmem>>) semaphore(%arg7 : memref<!tpu.dma_semaphore, #tpu.memory_space<semaphore_mem>>)
    %dma_wait3A = arith.constant 0 : i32
    %dma_wait3A_7 = arith.constant 0 : i32
    %dma_wait3A_8 = tpu.memref_slice %arg2[%dma_wait3A, %dma_wait3A_7] : memref<8192x128xf32, #tpu.memory_space<hbm>> -> memref<8192x128xf32, #tpu.memory_space<hbm>>
    tpu.wait_indirect_dma semaphore(%arg7 : memref<!tpu.dma_semaphore, #tpu.memory_space<semaphore_mem>>) src(%dma_wait3A_8 : memref<8192x128xf32, #tpu.memory_space<hbm>>) dst(%arg6 : memref<256x128xf32, #tpu.memory_space<vmem>>)
    "tpu.region"() ({
      %run_scoped3A = tpu.sem_alloc : memref<!tpu.dma_semaphore, #tpu.memory_space<semaphore_mem>>
      %dma_start3A_9 = arith.constant 0 : i32
      %dma_start3A_10 = tpu.memref_slice %arg4[%add3A_4, %dma_start3A_9] : memref<8192x128xf32, #tpu.memory_space<hbm>> -> memref<256x128xf32, #tpu.memory_space<hbm>>
      %dma_start3A_11 = arith.constant 0 : i32
      %dma_start3A_12 = tpu.memref_slice %arg4[%add3A_4, %dma_start3A_11] : memref<8192x128xf32, #tpu.memory_space<hbm>> -> memref<256x128xf32, #tpu.memory_space<hbm>>
      tpu.enqueue_dma source(%arg6 : memref<256x128xf32, #tpu.memory_space<vmem>>) target(%dma_start3A_12 : memref<256x128xf32, #tpu.memory_space<hbm>>) target_semaphore(%run_scoped3A : memref<!tpu.dma_semaphore, #tpu.memory_space<semaphore_mem>>)
      %dma_wait3A_13 = arith.constant 0 : i32
      %dma_wait3A_14 = tpu.memref_slice %arg4[%add3A_4, %dma_wait3A_13] : memref<8192x128xf32, #tpu.memory_space<hbm>> -> memref<256x128xf32, #tpu.memory_space<hbm>>
      %dma_wait3A_15 = arith.constant 0 : i32
      %dma_wait3A_16 = tpu.memref_slice %arg4[%add3A_4, %dma_wait3A_15] : memref<8192x128xf32, #tpu.memory_space<hbm>> -> memref<256x128xf32, #tpu.memory_space<hbm>>
      tpu.wait_dma2 semaphore(%run_scoped3A : memref<!tpu.dma_semaphore, #tpu.memory_space<semaphore_mem>>) src(%arg6 : memref<256x128xf32, #tpu.memory_space<vmem>>) dst(%dma_wait3A_16 : memref<256x128xf32, #tpu.memory_space<hbm>>)
      tpu.yield
    }) : () -> ()
    return
  }
}

module attributes {stable_mosaic.version = 14 : i64} {
  func.func @_argmin_body(%arg0: i32, %arg1: memref<512x64xf32, #tpu.memory_space<vmem>>, %arg2: memref<64x8192xf32, #tpu.memory_space<vmem>>, %arg3: memref<8192xf32, #tpu.memory_space<vmem>>, %arg4: memref<512xf32, #tpu.memory_space<vmem>>, %arg5: memref<8192xf32, #tpu.memory_space<vmem>>, %arg6: memref<512xi32, #tpu.memory_space<vmem>>, %arg7: memref<512xf32, #tpu.memory_space<vmem>>) attributes {dimension_semantics = [#tpu.dimension_semantics<arbitrary>], iteration_bounds = array<i64: 16>, scalar_prefetch = 0 : i64, scratch_operands = 0 : i64, tpu.core_type = #tpu.core_type<tc>, window_params = [{transform_indices = @transform_0, window_bounds = array<i64: 512, 64>}, {pipeline_mode = #tpu.pipeline_mode<synchronous>, transform_indices = @transform_1, window_bounds = array<i64: 64, 8192>}, {pipeline_mode = #tpu.pipeline_mode<synchronous>, transform_indices = @transform_2, window_bounds = array<i64: 8192>}, {transform_indices = @transform_3, window_bounds = array<i64: 512>}, {pipeline_mode = #tpu.pipeline_mode<synchronous>, transform_indices = @transform_4, window_bounds = array<i64: 8192>}, {transform_indices = @transform_5, window_bounds = array<i64: 512>}, {transform_indices = @transform_6, window_bounds = array<i64: 512>}]} {
    %get3A = arith.constant 0 : index
    %get3A_0 = arith.constant 0 : index
    %get3A_1 = vector.load %arg1[%get3A, %get3A_0] : memref<512x64xf32, #tpu.memory_space<vmem>>, vector<512x64xf32>
    %get3A_2 = arith.constant 0 : index
    %get3A_3 = vector.load %arg4[%get3A_2] : memref<512xf32, #tpu.memory_space<vmem>>, vector<512xf32>
    %broadcast_in_dim3A = vector.shape_cast %get3A_3 : vector<512xf32> to vector<512x1xf32>
    %broadcast_in_dim3A_4 = arith.constant 0x7F800000 : f32
    %broadcast_in_dim3A_5 = vector.broadcast %broadcast_in_dim3A_4 : f32 to vector<512xf32>
    %broadcast_in_dim3A_6 = arith.constant 0.000000e+00 : f32
    %broadcast_in_dim3A_7 = vector.broadcast %broadcast_in_dim3A_6 : f32 to vector<512xf32>
    %broadcast_in_dim3A_8 = arith.constant 0.000000e+00 : f32
    %broadcast_in_dim3A_9 = vector.broadcast %broadcast_in_dim3A_8 : f32 to vector<512xf32>
    %broadcast_in_dim3A_10 = arith.constant 0x7F800000 : f32
    %broadcast_in_dim3A_11 = vector.broadcast %broadcast_in_dim3A_10 : f32 to vector<512xf32>
    %broadcast_in_dim3A_12 = arith.constant 0.000000e+00 : f32
    %broadcast_in_dim3A_13 = vector.broadcast %broadcast_in_dim3A_12 : f32 to vector<512xf32>
    %get3A_14 = arith.constant 0 : index
    %get3A_15 = arith.constant 0 : index
    %get3A_16 = vector.load %arg2[%get3A_14, %get3A_15] : memref<64x8192xf32, #tpu.memory_space<vmem>>, vector<64x512xf32>
    %dot_general3A = arith.constant dense<0.000000e+00> : vector<512x512xf32>
    %dot_general3A_17 = tpu.matmul %get3A_1, %get3A_16, %dot_general3A {dimension_numbers = #tpu.dot_dimension_numbers<[1], [0], [0], [1], [0, 0, 1, 1], [], []>, transpose_lhs_hint = false} : vector<512x64xf32>, vector<64x512xf32>, vector<512x512xf32> -> vector<512x512xf32>
    %get3A_18 = arith.constant 0 : index
    %get3A_19 = vector.load %arg3[%get3A_18] : memref<8192xf32, #tpu.memory_space<vmem>>, vector<512xf32>
    %broadcast_in_dim3A_20 = vector.shape_cast %get3A_19 : vector<512xf32> to vector<1x512xf32>
    %add3A = vector.broadcast %broadcast_in_dim3A_20 : vector<1x512xf32> to vector<512x512xf32>
    %add3A_21 = vector.broadcast %broadcast_in_dim3A : vector<512x1xf32> to vector<512x512xf32>
    %add3A_22 = arith.addf %add3A, %add3A_21 : vector<512x512xf32>
    %sub3A = arith.subf %add3A_22, %dot_general3A_17 : vector<512x512xf32>
    %reduce_min3A = arith.constant dense<0x7F800000> : vector<512xf32>
    %reduce_min3A_23 = vector.multi_reduction <minimumf>, %sub3A, %reduce_min3A [1] : vector<512x512xf32> to vector<512xf32>
    %get3A_24 = arith.constant 0 : index
    %get3A_25 = vector.load %arg5[%get3A_24] : memref<8192xf32, #tpu.memory_space<vmem>>, vector<512xf32>
    %broadcast_in_dim3A_26 = vector.shape_cast %get3A_25 : vector<512xf32> to vector<1x512xf32>
    %broadcast_in_dim3A_27 = vector.shape_cast %reduce_min3A_23 : vector<512xf32> to vector<512x1xf32>
    %eq3A = vector.broadcast %broadcast_in_dim3A_27 : vector<512x1xf32> to vector<512x512xf32>
    %eq3A_28 = arith.cmpf oeq, %sub3A, %eq3A : vector<512x512xf32>
    %jit3A = arith.constant 1.000000e+09 : f32
    %broadcast_in_dim3A_29 = vector.shape_cast %broadcast_in_dim3A_26 : vector<1x512xf32> to vector<1x512xf32>
    %broadcast_in_dim3A_30 = vector.broadcast %broadcast_in_dim3A_29 : vector<1x512xf32> to vector<512x512xf32>
    %broadcast_in_dim3A_31 = vector.broadcast %jit3A : f32 to vector<512x512xf32>
    %select_n3A = arith.select %eq3A_28, %broadcast_in_dim3A_30, %broadcast_in_dim3A_31 : vector<512x512xi1>, vector<512x512xf32>
    %reduce_min3A_32 = arith.constant dense<0x7F800000> : vector<512xf32>
    %reduce_min3A_33 = vector.multi_reduction <minimumf>, %select_n3A, %reduce_min3A_32 [1] : vector<512x512xf32> to vector<512xf32>
    %lt3A = arith.cmpf olt, %reduce_min3A_23, %broadcast_in_dim3A_11 : vector<512xf32>
    %select_n3A_34 = arith.select %lt3A, %reduce_min3A_23, %broadcast_in_dim3A_11 : vector<512xi1>, vector<512xf32>
    %select_n3A_35 = arith.select %lt3A, %reduce_min3A_33, %broadcast_in_dim3A_13 : vector<512xi1>, vector<512xf32>
    %get3A_36 = arith.constant 0 : index
    %get3A_37 = arith.constant 512 : index
    %get3A_38 = vector.load %arg2[%get3A_36, %get3A_37] : memref<64x8192xf32, #tpu.memory_space<vmem>>, vector<64x512xf32>
    %dot_general3A_39 = arith.constant dense<0.000000e+00> : vector<512x512xf32>
    %dot_general3A_40 = tpu.matmul %get3A_1, %get3A_38, %dot_general3A_39 {dimension_numbers = #tpu.dot_dimension_numbers<[1], [0], [0], [1], [0, 0, 1, 1], [], []>, transpose_lhs_hint = false} : vector<512x64xf32>, vector<64x512xf32>, vector<512x512xf32> -> vector<512x512xf32>
    %get3A_41 = arith.constant 512 : index
    %get3A_42 = vector.load %arg3[%get3A_41] : memref<8192xf32, #tpu.memory_space<vmem>>, vector<512xf32>
    %broadcast_in_dim3A_43 = vector.shape_cast %get3A_42 : vector<512xf32> to vector<1x512xf32>
    %add3A_44 = vector.broadcast %broadcast_in_dim3A_43 : vector<1x512xf32> to vector<512x512xf32>
    %add3A_45 = vector.broadcast %broadcast_in_dim3A : vector<512x1xf32> to vector<512x512xf32>
    %add3A_46 = arith.addf %add3A_44, %add3A_45 : vector<512x512xf32>
    %sub3A_47 = arith.subf %add3A_46, %dot_general3A_40 : vector<512x512xf32>
    %reduce_min3A_48 = arith.constant dense<0x7F800000> : vector<512xf32>
    %reduce_min3A_49 = vector.multi_reduction <minimumf>, %sub3A_47, %reduce_min3A_48 [1] : vector<512x512xf32> to vector<512xf32>
    %get3A_50 = arith.constant 512 : index
    %get3A_51 = vector.load %arg5[%get3A_50] : memref<8192xf32, #tpu.memory_space<vmem>>, vector<512xf32>
    %broadcast_in_dim3A_52 = vector.shape_cast %get3A_51 : vector<512xf32> to vector<1x512xf32>
    %broadcast_in_dim3A_53 = vector.shape_cast %reduce_min3A_49 : vector<512xf32> to vector<512x1xf32>
    %eq3A_54 = vector.broadcast %broadcast_in_dim3A_53 : vector<512x1xf32> to vector<512x512xf32>
    %eq3A_55 = arith.cmpf oeq, %sub3A_47, %eq3A_54 : vector<512x512xf32>
    %jit3A_56 = arith.constant 1.000000e+09 : f32
    %broadcast_in_dim3A_57 = vector.shape_cast %broadcast_in_dim3A_52 : vector<1x512xf32> to vector<1x512xf32>
    %broadcast_in_dim3A_58 = vector.broadcast %broadcast_in_dim3A_57 : vector<1x512xf32> to vector<512x512xf32>
    %broadcast_in_dim3A_59 = vector.broadcast %jit3A_56 : f32 to vector<512x512xf32>
    %select_n3A_60 = arith.select %eq3A_55, %broadcast_in_dim3A_58, %broadcast_in_dim3A_59 : vector<512x512xi1>, vector<512x512xf32>
    %reduce_min3A_61 = arith.constant dense<0x7F800000> : vector<512xf32>
    %reduce_min3A_62 = vector.multi_reduction <minimumf>, %select_n3A_60, %reduce_min3A_61 [1] : vector<512x512xf32> to vector<512xf32>
    %lt3A_63 = arith.cmpf olt, %reduce_min3A_49, %select_n3A_34 : vector<512xf32>
    %select_n3A_64 = arith.select %lt3A_63, %reduce_min3A_49, %select_n3A_34 : vector<512xi1>, vector<512xf32>
    %select_n3A_65 = arith.select %lt3A_63, %reduce_min3A_62, %select_n3A_35 : vector<512xi1>, vector<512xf32>
    %get3A_66 = arith.constant 0 : index
    %get3A_67 = arith.constant 1024 : index
    %get3A_68 = vector.load %arg2[%get3A_66, %get3A_67] : memref<64x8192xf32, #tpu.memory_space<vmem>>, vector<64x512xf32>
    %dot_general3A_69 = arith.constant dense<0.000000e+00> : vector<512x512xf32>
    %dot_general3A_70 = tpu.matmul %get3A_1, %get3A_68, %dot_general3A_69 {dimension_numbers = #tpu.dot_dimension_numbers<[1], [0], [0], [1], [0, 0, 1, 1], [], []>, transpose_lhs_hint = false} : vector<512x64xf32>, vector<64x512xf32>, vector<512x512xf32> -> vector<512x512xf32>
    %get3A_71 = arith.constant 1024 : index
    %get3A_72 = vector.load %arg3[%get3A_71] : memref<8192xf32, #tpu.memory_space<vmem>>, vector<512xf32>
    %broadcast_in_dim3A_73 = vector.shape_cast %get3A_72 : vector<512xf32> to vector<1x512xf32>
    %add3A_74 = vector.broadcast %broadcast_in_dim3A_73 : vector<1x512xf32> to vector<512x512xf32>
    %add3A_75 = vector.broadcast %broadcast_in_dim3A : vector<512x1xf32> to vector<512x512xf32>
    %add3A_76 = arith.addf %add3A_74, %add3A_75 : vector<512x512xf32>
    %sub3A_77 = arith.subf %add3A_76, %dot_general3A_70 : vector<512x512xf32>
    %reduce_min3A_78 = arith.constant dense<0x7F800000> : vector<512xf32>
    %reduce_min3A_79 = vector.multi_reduction <minimumf>, %sub3A_77, %reduce_min3A_78 [1] : vector<512x512xf32> to vector<512xf32>
    %get3A_80 = arith.constant 1024 : index
    %get3A_81 = vector.load %arg5[%get3A_80] : memref<8192xf32, #tpu.memory_space<vmem>>, vector<512xf32>
    %broadcast_in_dim3A_82 = vector.shape_cast %get3A_81 : vector<512xf32> to vector<1x512xf32>
    %broadcast_in_dim3A_83 = vector.shape_cast %reduce_min3A_79 : vector<512xf32> to vector<512x1xf32>
    %eq3A_84 = vector.broadcast %broadcast_in_dim3A_83 : vector<512x1xf32> to vector<512x512xf32>
    %eq3A_85 = arith.cmpf oeq, %sub3A_77, %eq3A_84 : vector<512x512xf32>
    %jit3A_86 = arith.constant 1.000000e+09 : f32
    %broadcast_in_dim3A_87 = vector.shape_cast %broadcast_in_dim3A_82 : vector<1x512xf32> to vector<1x512xf32>
    %broadcast_in_dim3A_88 = vector.broadcast %broadcast_in_dim3A_87 : vector<1x512xf32> to vector<512x512xf32>
    %broadcast_in_dim3A_89 = vector.broadcast %jit3A_86 : f32 to vector<512x512xf32>
    %select_n3A_90 = arith.select %eq3A_85, %broadcast_in_dim3A_88, %broadcast_in_dim3A_89 : vector<512x512xi1>, vector<512x512xf32>
    %reduce_min3A_91 = arith.constant dense<0x7F800000> : vector<512xf32>
    %reduce_min3A_92 = vector.multi_reduction <minimumf>, %select_n3A_90, %reduce_min3A_91 [1] : vector<512x512xf32> to vector<512xf32>
    %lt3A_93 = arith.cmpf olt, %reduce_min3A_79, %select_n3A_64 : vector<512xf32>
    %select_n3A_94 = arith.select %lt3A_93, %reduce_min3A_79, %select_n3A_64 : vector<512xi1>, vector<512xf32>
    %select_n3A_95 = arith.select %lt3A_93, %reduce_min3A_92, %select_n3A_65 : vector<512xi1>, vector<512xf32>
    %get3A_96 = arith.constant 0 : index
    %get3A_97 = arith.constant 1536 : index
    %get3A_98 = vector.load %arg2[%get3A_96, %get3A_97] : memref<64x8192xf32, #tpu.memory_space<vmem>>, vector<64x512xf32>
    %dot_general3A_99 = arith.constant dense<0.000000e+00> : vector<512x512xf32>
    %dot_general3A_100 = tpu.matmul %get3A_1, %get3A_98, %dot_general3A_99 {dimension_numbers = #tpu.dot_dimension_numbers<[1], [0], [0], [1], [0, 0, 1, 1], [], []>, transpose_lhs_hint = false} : vector<512x64xf32>, vector<64x512xf32>, vector<512x512xf32> -> vector<512x512xf32>
    %get3A_101 = arith.constant 1536 : index
    %get3A_102 = vector.load %arg3[%get3A_101] : memref<8192xf32, #tpu.memory_space<vmem>>, vector<512xf32>
    %broadcast_in_dim3A_103 = vector.shape_cast %get3A_102 : vector<512xf32> to vector<1x512xf32>
    %add3A_104 = vector.broadcast %broadcast_in_dim3A_103 : vector<1x512xf32> to vector<512x512xf32>
    %add3A_105 = vector.broadcast %broadcast_in_dim3A : vector<512x1xf32> to vector<512x512xf32>
    %add3A_106 = arith.addf %add3A_104, %add3A_105 : vector<512x512xf32>
    %sub3A_107 = arith.subf %add3A_106, %dot_general3A_100 : vector<512x512xf32>
    %reduce_min3A_108 = arith.constant dense<0x7F800000> : vector<512xf32>
    %reduce_min3A_109 = vector.multi_reduction <minimumf>, %sub3A_107, %reduce_min3A_108 [1] : vector<512x512xf32> to vector<512xf32>
    %get3A_110 = arith.constant 1536 : index
    %get3A_111 = vector.load %arg5[%get3A_110] : memref<8192xf32, #tpu.memory_space<vmem>>, vector<512xf32>
    %broadcast_in_dim3A_112 = vector.shape_cast %get3A_111 : vector<512xf32> to vector<1x512xf32>
    %broadcast_in_dim3A_113 = vector.shape_cast %reduce_min3A_109 : vector<512xf32> to vector<512x1xf32>
    %eq3A_114 = vector.broadcast %broadcast_in_dim3A_113 : vector<512x1xf32> to vector<512x512xf32>
    %eq3A_115 = arith.cmpf oeq, %sub3A_107, %eq3A_114 : vector<512x512xf32>
    %jit3A_116 = arith.constant 1.000000e+09 : f32
    %broadcast_in_dim3A_117 = vector.shape_cast %broadcast_in_dim3A_112 : vector<1x512xf32> to vector<1x512xf32>
    %broadcast_in_dim3A_118 = vector.broadcast %broadcast_in_dim3A_117 : vector<1x512xf32> to vector<512x512xf32>
    %broadcast_in_dim3A_119 = vector.broadcast %jit3A_116 : f32 to vector<512x512xf32>
    %select_n3A_120 = arith.select %eq3A_115, %broadcast_in_dim3A_118, %broadcast_in_dim3A_119 : vector<512x512xi1>, vector<512x512xf32>
    %reduce_min3A_121 = arith.constant dense<0x7F800000> : vector<512xf32>
    %reduce_min3A_122 = vector.multi_reduction <minimumf>, %select_n3A_120, %reduce_min3A_121 [1] : vector<512x512xf32> to vector<512xf32>
    %lt3A_123 = arith.cmpf olt, %reduce_min3A_109, %select_n3A_94 : vector<512xf32>
    %select_n3A_124 = arith.select %lt3A_123, %reduce_min3A_109, %select_n3A_94 : vector<512xi1>, vector<512xf32>
    %select_n3A_125 = arith.select %lt3A_123, %reduce_min3A_122, %select_n3A_95 : vector<512xi1>, vector<512xf32>
    %lt3A_126 = arith.cmpf olt, %select_n3A_124, %broadcast_in_dim3A_5 : vector<512xf32>
    %convert_element_type3A = arith.truncf %select_n3A_124 : vector<512xf32> to vector<512xbf16>
    %convert_element_type3A_127 = arith.extf %convert_element_type3A : vector<512xbf16> to vector<512xf32>
    %select_n3A_128 = arith.select %lt3A_126, %convert_element_type3A_127, %broadcast_in_dim3A_5 : vector<512xi1>, vector<512xf32>
    %select_n3A_129 = arith.select %lt3A_126, %select_n3A_125, %broadcast_in_dim3A_7 : vector<512xi1>, vector<512xf32>
    %select_n3A_130 = arith.select %lt3A_126, %select_n3A_124, %broadcast_in_dim3A_9 : vector<512xi1>, vector<512xf32>
    %broadcast_in_dim3A_131 = arith.constant 0x7F800000 : f32
    %broadcast_in_dim3A_132 = vector.broadcast %broadcast_in_dim3A_131 : f32 to vector<512xf32>
    %broadcast_in_dim3A_133 = arith.constant 0.000000e+00 : f32
    %broadcast_in_dim3A_134 = vector.broadcast %broadcast_in_dim3A_133 : f32 to vector<512xf32>
    %get3A_135 = arith.constant 0 : index
    %get3A_136 = arith.constant 2048 : index
    %get3A_137 = vector.load %arg2[%get3A_135, %get3A_136] : memref<64x8192xf32, #tpu.memory_space<vmem>>, vector<64x512xf32>
    %dot_general3A_138 = arith.constant dense<0.000000e+00> : vector<512x512xf32>
    %dot_general3A_139 = tpu.matmul %get3A_1, %get3A_137, %dot_general3A_138 {dimension_numbers = #tpu.dot_dimension_numbers<[1], [0], [0], [1], [0, 0, 1, 1], [], []>, transpose_lhs_hint = false} : vector<512x64xf32>, vector<64x512xf32>, vector<512x512xf32> -> vector<512x512xf32>
    %get3A_140 = arith.constant 2048 : index
    %get3A_141 = vector.load %arg3[%get3A_140] : memref<8192xf32, #tpu.memory_space<vmem>>, vector<512xf32>
    %broadcast_in_dim3A_142 = vector.shape_cast %get3A_141 : vector<512xf32> to vector<1x512xf32>
    %add3A_143 = vector.broadcast %broadcast_in_dim3A_142 : vector<1x512xf32> to vector<512x512xf32>
    %add3A_144 = vector.broadcast %broadcast_in_dim3A : vector<512x1xf32> to vector<512x512xf32>
    %add3A_145 = arith.addf %add3A_143, %add3A_144 : vector<512x512xf32>
    %sub3A_146 = arith.subf %add3A_145, %dot_general3A_139 : vector<512x512xf32>
    %reduce_min3A_147 = arith.constant dense<0x7F800000> : vector<512xf32>
    %reduce_min3A_148 = vector.multi_reduction <minimumf>, %sub3A_146, %reduce_min3A_147 [1] : vector<512x512xf32> to vector<512xf32>
    %get3A_149 = arith.constant 2048 : index
    %get3A_150 = vector.load %arg5[%get3A_149] : memref<8192xf32, #tpu.memory_space<vmem>>, vector<512xf32>
    %broadcast_in_dim3A_151 = vector.shape_cast %get3A_150 : vector<512xf32> to vector<1x512xf32>
    %broadcast_in_dim3A_152 = vector.shape_cast %reduce_min3A_148 : vector<512xf32> to vector<512x1xf32>
    %eq3A_153 = vector.broadcast %broadcast_in_dim3A_152 : vector<512x1xf32> to vector<512x512xf32>
    %eq3A_154 = arith.cmpf oeq, %sub3A_146, %eq3A_153 : vector<512x512xf32>
    %jit3A_155 = arith.constant 1.000000e+09 : f32
    %broadcast_in_dim3A_156 = vector.shape_cast %broadcast_in_dim3A_151 : vector<1x512xf32> to vector<1x512xf32>
    %broadcast_in_dim3A_157 = vector.broadcast %broadcast_in_dim3A_156 : vector<1x512xf32> to vector<512x512xf32>
    %broadcast_in_dim3A_158 = vector.broadcast %jit3A_155 : f32 to vector<512x512xf32>
    %select_n3A_159 = arith.select %eq3A_154, %broadcast_in_dim3A_157, %broadcast_in_dim3A_158 : vector<512x512xi1>, vector<512x512xf32>
    %reduce_min3A_160 = arith.constant dense<0x7F800000> : vector<512xf32>
    %reduce_min3A_161 = vector.multi_reduction <minimumf>, %select_n3A_159, %reduce_min3A_160 [1] : vector<512x512xf32> to vector<512xf32>
    %lt3A_162 = arith.cmpf olt, %reduce_min3A_148, %broadcast_in_dim3A_132 : vector<512xf32>
    %select_n3A_163 = arith.select %lt3A_162, %reduce_min3A_148, %broadcast_in_dim3A_132 : vector<512xi1>, vector<512xf32>
    %select_n3A_164 = arith.select %lt3A_162, %reduce_min3A_161, %broadcast_in_dim3A_134 : vector<512xi1>, vector<512xf32>
    %get3A_165 = arith.constant 0 : index
    %get3A_166 = arith.constant 2560 : index
    %get3A_167 = vector.load %arg2[%get3A_165, %get3A_166] : memref<64x8192xf32, #tpu.memory_space<vmem>>, vector<64x512xf32>
    %dot_general3A_168 = arith.constant dense<0.000000e+00> : vector<512x512xf32>
    %dot_general3A_169 = tpu.matmul %get3A_1, %get3A_167, %dot_general3A_168 {dimension_numbers = #tpu.dot_dimension_numbers<[1], [0], [0], [1], [0, 0, 1, 1], [], []>, transpose_lhs_hint = false} : vector<512x64xf32>, vector<64x512xf32>, vector<512x512xf32> -> vector<512x512xf32>
    %get3A_170 = arith.constant 2560 : index
    %get3A_171 = vector.load %arg3[%get3A_170] : memref<8192xf32, #tpu.memory_space<vmem>>, vector<512xf32>
    %broadcast_in_dim3A_172 = vector.shape_cast %get3A_171 : vector<512xf32> to vector<1x512xf32>
    %add3A_173 = vector.broadcast %broadcast_in_dim3A_172 : vector<1x512xf32> to vector<512x512xf32>
    %add3A_174 = vector.broadcast %broadcast_in_dim3A : vector<512x1xf32> to vector<512x512xf32>
    %add3A_175 = arith.addf %add3A_173, %add3A_174 : vector<512x512xf32>
    %sub3A_176 = arith.subf %add3A_175, %dot_general3A_169 : vector<512x512xf32>
    %reduce_min3A_177 = arith.constant dense<0x7F800000> : vector<512xf32>
    %reduce_min3A_178 = vector.multi_reduction <minimumf>, %sub3A_176, %reduce_min3A_177 [1] : vector<512x512xf32> to vector<512xf32>
    %get3A_179 = arith.constant 2560 : index
    %get3A_180 = vector.load %arg5[%get3A_179] : memref<8192xf32, #tpu.memory_space<vmem>>, vector<512xf32>
    %broadcast_in_dim3A_181 = vector.shape_cast %get3A_180 : vector<512xf32> to vector<1x512xf32>
    %broadcast_in_dim3A_182 = vector.shape_cast %reduce_min3A_178 : vector<512xf32> to vector<512x1xf32>
    %eq3A_183 = vector.broadcast %broadcast_in_dim3A_182 : vector<512x1xf32> to vector<512x512xf32>
    %eq3A_184 = arith.cmpf oeq, %sub3A_176, %eq3A_183 : vector<512x512xf32>
    %jit3A_185 = arith.constant 1.000000e+09 : f32
    %broadcast_in_dim3A_186 = vector.shape_cast %broadcast_in_dim3A_181 : vector<1x512xf32> to vector<1x512xf32>
    %broadcast_in_dim3A_187 = vector.broadcast %broadcast_in_dim3A_186 : vector<1x512xf32> to vector<512x512xf32>
    %broadcast_in_dim3A_188 = vector.broadcast %jit3A_185 : f32 to vector<512x512xf32>
    %select_n3A_189 = arith.select %eq3A_184, %broadcast_in_dim3A_187, %broadcast_in_dim3A_188 : vector<512x512xi1>, vector<512x512xf32>
    %reduce_min3A_190 = arith.constant dense<0x7F800000> : vector<512xf32>
    %reduce_min3A_191 = vector.multi_reduction <minimumf>, %select_n3A_189, %reduce_min3A_190 [1] : vector<512x512xf32> to vector<512xf32>
    %lt3A_192 = arith.cmpf olt, %reduce_min3A_178, %select_n3A_163 : vector<512xf32>
    %select_n3A_193 = arith.select %lt3A_192, %reduce_min3A_178, %select_n3A_163 : vector<512xi1>, vector<512xf32>
    %select_n3A_194 = arith.select %lt3A_192, %reduce_min3A_191, %select_n3A_164 : vector<512xi1>, vector<512xf32>
    %get3A_195 = arith.constant 0 : index
    %get3A_196 = arith.constant 3072 : index
    %get3A_197 = vector.load %arg2[%get3A_195, %get3A_196] : memref<64x8192xf32, #tpu.memory_space<vmem>>, vector<64x512xf32>
    %dot_general3A_198 = arith.constant dense<0.000000e+00> : vector<512x512xf32>
    %dot_general3A_199 = tpu.matmul %get3A_1, %get3A_197, %dot_general3A_198 {dimension_numbers = #tpu.dot_dimension_numbers<[1], [0], [0], [1], [0, 0, 1, 1], [], []>, transpose_lhs_hint = false} : vector<512x64xf32>, vector<64x512xf32>, vector<512x512xf32> -> vector<512x512xf32>
    %get3A_200 = arith.constant 3072 : index
    %get3A_201 = vector.load %arg3[%get3A_200] : memref<8192xf32, #tpu.memory_space<vmem>>, vector<512xf32>
    %broadcast_in_dim3A_202 = vector.shape_cast %get3A_201 : vector<512xf32> to vector<1x512xf32>
    %add3A_203 = vector.broadcast %broadcast_in_dim3A_202 : vector<1x512xf32> to vector<512x512xf32>
    %add3A_204 = vector.broadcast %broadcast_in_dim3A : vector<512x1xf32> to vector<512x512xf32>
    %add3A_205 = arith.addf %add3A_203, %add3A_204 : vector<512x512xf32>
    %sub3A_206 = arith.subf %add3A_205, %dot_general3A_199 : vector<512x512xf32>
    %reduce_min3A_207 = arith.constant dense<0x7F800000> : vector<512xf32>
    %reduce_min3A_208 = vector.multi_reduction <minimumf>, %sub3A_206, %reduce_min3A_207 [1] : vector<512x512xf32> to vector<512xf32>
    %get3A_209 = arith.constant 3072 : index
    %get3A_210 = vector.load %arg5[%get3A_209] : memref<8192xf32, #tpu.memory_space<vmem>>, vector<512xf32>
    %broadcast_in_dim3A_211 = vector.shape_cast %get3A_210 : vector<512xf32> to vector<1x512xf32>
    %broadcast_in_dim3A_212 = vector.shape_cast %reduce_min3A_208 : vector<512xf32> to vector<512x1xf32>
    %eq3A_213 = vector.broadcast %broadcast_in_dim3A_212 : vector<512x1xf32> to vector<512x512xf32>
    %eq3A_214 = arith.cmpf oeq, %sub3A_206, %eq3A_213 : vector<512x512xf32>
    %jit3A_215 = arith.constant 1.000000e+09 : f32
    %broadcast_in_dim3A_216 = vector.shape_cast %broadcast_in_dim3A_211 : vector<1x512xf32> to vector<1x512xf32>
    %broadcast_in_dim3A_217 = vector.broadcast %broadcast_in_dim3A_216 : vector<1x512xf32> to vector<512x512xf32>
    %broadcast_in_dim3A_218 = vector.broadcast %jit3A_215 : f32 to vector<512x512xf32>
    %select_n3A_219 = arith.select %eq3A_214, %broadcast_in_dim3A_217, %broadcast_in_dim3A_218 : vector<512x512xi1>, vector<512x512xf32>
    %reduce_min3A_220 = arith.constant dense<0x7F800000> : vector<512xf32>
    %reduce_min3A_221 = vector.multi_reduction <minimumf>, %select_n3A_219, %reduce_min3A_220 [1] : vector<512x512xf32> to vector<512xf32>
    %lt3A_222 = arith.cmpf olt, %reduce_min3A_208, %select_n3A_193 : vector<512xf32>
    %select_n3A_223 = arith.select %lt3A_222, %reduce_min3A_208, %select_n3A_193 : vector<512xi1>, vector<512xf32>
    %select_n3A_224 = arith.select %lt3A_222, %reduce_min3A_221, %select_n3A_194 : vector<512xi1>, vector<512xf32>
    %get3A_225 = arith.constant 0 : index
    %get3A_226 = arith.constant 3584 : index
    %get3A_227 = vector.load %arg2[%get3A_225, %get3A_226] : memref<64x8192xf32, #tpu.memory_space<vmem>>, vector<64x512xf32>
    %dot_general3A_228 = arith.constant dense<0.000000e+00> : vector<512x512xf32>
    %dot_general3A_229 = tpu.matmul %get3A_1, %get3A_227, %dot_general3A_228 {dimension_numbers = #tpu.dot_dimension_numbers<[1], [0], [0], [1], [0, 0, 1, 1], [], []>, transpose_lhs_hint = false} : vector<512x64xf32>, vector<64x512xf32>, vector<512x512xf32> -> vector<512x512xf32>
    %get3A_230 = arith.constant 3584 : index
    %get3A_231 = vector.load %arg3[%get3A_230] : memref<8192xf32, #tpu.memory_space<vmem>>, vector<512xf32>
    %broadcast_in_dim3A_232 = vector.shape_cast %get3A_231 : vector<512xf32> to vector<1x512xf32>
    %add3A_233 = vector.broadcast %broadcast_in_dim3A_232 : vector<1x512xf32> to vector<512x512xf32>
    %add3A_234 = vector.broadcast %broadcast_in_dim3A : vector<512x1xf32> to vector<512x512xf32>
    %add3A_235 = arith.addf %add3A_233, %add3A_234 : vector<512x512xf32>
    %sub3A_236 = arith.subf %add3A_235, %dot_general3A_229 : vector<512x512xf32>
    %reduce_min3A_237 = arith.constant dense<0x7F800000> : vector<512xf32>
    %reduce_min3A_238 = vector.multi_reduction <minimumf>, %sub3A_236, %reduce_min3A_237 [1] : vector<512x512xf32> to vector<512xf32>
    %get3A_239 = arith.constant 3584 : index
    %get3A_240 = vector.load %arg5[%get3A_239] : memref<8192xf32, #tpu.memory_space<vmem>>, vector<512xf32>
    %broadcast_in_dim3A_241 = vector.shape_cast %get3A_240 : vector<512xf32> to vector<1x512xf32>
    %broadcast_in_dim3A_242 = vector.shape_cast %reduce_min3A_238 : vector<512xf32> to vector<512x1xf32>
    %eq3A_243 = vector.broadcast %broadcast_in_dim3A_242 : vector<512x1xf32> to vector<512x512xf32>
    %eq3A_244 = arith.cmpf oeq, %sub3A_236, %eq3A_243 : vector<512x512xf32>
    %jit3A_245 = arith.constant 1.000000e+09 : f32
    %broadcast_in_dim3A_246 = vector.shape_cast %broadcast_in_dim3A_241 : vector<1x512xf32> to vector<1x512xf32>
    %broadcast_in_dim3A_247 = vector.broadcast %broadcast_in_dim3A_246 : vector<1x512xf32> to vector<512x512xf32>
    %broadcast_in_dim3A_248 = vector.broadcast %jit3A_245 : f32 to vector<512x512xf32>
    %select_n3A_249 = arith.select %eq3A_244, %broadcast_in_dim3A_247, %broadcast_in_dim3A_248 : vector<512x512xi1>, vector<512x512xf32>
    %reduce_min3A_250 = arith.constant dense<0x7F800000> : vector<512xf32>
    %reduce_min3A_251 = vector.multi_reduction <minimumf>, %select_n3A_249, %reduce_min3A_250 [1] : vector<512x512xf32> to vector<512xf32>
    %lt3A_252 = arith.cmpf olt, %reduce_min3A_238, %select_n3A_223 : vector<512xf32>
    %select_n3A_253 = arith.select %lt3A_252, %reduce_min3A_238, %select_n3A_223 : vector<512xi1>, vector<512xf32>
    %select_n3A_254 = arith.select %lt3A_252, %reduce_min3A_251, %select_n3A_224 : vector<512xi1>, vector<512xf32>
    %lt3A_255 = arith.cmpf olt, %select_n3A_253, %select_n3A_128 : vector<512xf32>
    %convert_element_type3A_256 = arith.truncf %select_n3A_253 : vector<512xf32> to vector<512xbf16>
    %convert_element_type3A_257 = arith.extf %convert_element_type3A_256 : vector<512xbf16> to vector<512xf32>
    %select_n3A_258 = arith.select %lt3A_255, %convert_element_type3A_257, %select_n3A_128 : vector<512xi1>, vector<512xf32>
    %select_n3A_259 = arith.select %lt3A_255, %select_n3A_254, %select_n3A_129 : vector<512xi1>, vector<512xf32>
    %select_n3A_260 = arith.select %lt3A_255, %select_n3A_253, %select_n3A_130 : vector<512xi1>, vector<512xf32>
    %broadcast_in_dim3A_261 = arith.constant 0x7F800000 : f32
    %broadcast_in_dim3A_262 = vector.broadcast %broadcast_in_dim3A_261 : f32 to vector<512xf32>
    %broadcast_in_dim3A_263 = arith.constant 0.000000e+00 : f32
    %broadcast_in_dim3A_264 = vector.broadcast %broadcast_in_dim3A_263 : f32 to vector<512xf32>
    %get3A_265 = arith.constant 0 : index
    %get3A_266 = arith.constant 4096 : index
    %get3A_267 = vector.load %arg2[%get3A_265, %get3A_266] : memref<64x8192xf32, #tpu.memory_space<vmem>>, vector<64x512xf32>
    %dot_general3A_268 = arith.constant dense<0.000000e+00> : vector<512x512xf32>
    %dot_general3A_269 = tpu.matmul %get3A_1, %get3A_267, %dot_general3A_268 {dimension_numbers = #tpu.dot_dimension_numbers<[1], [0], [0], [1], [0, 0, 1, 1], [], []>, transpose_lhs_hint = false} : vector<512x64xf32>, vector<64x512xf32>, vector<512x512xf32> -> vector<512x512xf32>
    %get3A_270 = arith.constant 4096 : index
    %get3A_271 = vector.load %arg3[%get3A_270] : memref<8192xf32, #tpu.memory_space<vmem>>, vector<512xf32>
    %broadcast_in_dim3A_272 = vector.shape_cast %get3A_271 : vector<512xf32> to vector<1x512xf32>
    %add3A_273 = vector.broadcast %broadcast_in_dim3A_272 : vector<1x512xf32> to vector<512x512xf32>
    %add3A_274 = vector.broadcast %broadcast_in_dim3A : vector<512x1xf32> to vector<512x512xf32>
    %add3A_275 = arith.addf %add3A_273, %add3A_274 : vector<512x512xf32>
    %sub3A_276 = arith.subf %add3A_275, %dot_general3A_269 : vector<512x512xf32>
    %reduce_min3A_277 = arith.constant dense<0x7F800000> : vector<512xf32>
    %reduce_min3A_278 = vector.multi_reduction <minimumf>, %sub3A_276, %reduce_min3A_277 [1] : vector<512x512xf32> to vector<512xf32>
    %get3A_279 = arith.constant 4096 : index
    %get3A_280 = vector.load %arg5[%get3A_279] : memref<8192xf32, #tpu.memory_space<vmem>>, vector<512xf32>
    %broadcast_in_dim3A_281 = vector.shape_cast %get3A_280 : vector<512xf32> to vector<1x512xf32>
    %broadcast_in_dim3A_282 = vector.shape_cast %reduce_min3A_278 : vector<512xf32> to vector<512x1xf32>
    %eq3A_283 = vector.broadcast %broadcast_in_dim3A_282 : vector<512x1xf32> to vector<512x512xf32>
    %eq3A_284 = arith.cmpf oeq, %sub3A_276, %eq3A_283 : vector<512x512xf32>
    %jit3A_285 = arith.constant 1.000000e+09 : f32
    %broadcast_in_dim3A_286 = vector.shape_cast %broadcast_in_dim3A_281 : vector<1x512xf32> to vector<1x512xf32>
    %broadcast_in_dim3A_287 = vector.broadcast %broadcast_in_dim3A_286 : vector<1x512xf32> to vector<512x512xf32>
    %broadcast_in_dim3A_288 = vector.broadcast %jit3A_285 : f32 to vector<512x512xf32>
    %select_n3A_289 = arith.select %eq3A_284, %broadcast_in_dim3A_287, %broadcast_in_dim3A_288 : vector<512x512xi1>, vector<512x512xf32>
    %reduce_min3A_290 = arith.constant dense<0x7F800000> : vector<512xf32>
    %reduce_min3A_291 = vector.multi_reduction <minimumf>, %select_n3A_289, %reduce_min3A_290 [1] : vector<512x512xf32> to vector<512xf32>
    %lt3A_292 = arith.cmpf olt, %reduce_min3A_278, %broadcast_in_dim3A_262 : vector<512xf32>
    %select_n3A_293 = arith.select %lt3A_292, %reduce_min3A_278, %broadcast_in_dim3A_262 : vector<512xi1>, vector<512xf32>
    %select_n3A_294 = arith.select %lt3A_292, %reduce_min3A_291, %broadcast_in_dim3A_264 : vector<512xi1>, vector<512xf32>
    %get3A_295 = arith.constant 0 : index
    %get3A_296 = arith.constant 4608 : index
    %get3A_297 = vector.load %arg2[%get3A_295, %get3A_296] : memref<64x8192xf32, #tpu.memory_space<vmem>>, vector<64x512xf32>
    %dot_general3A_298 = arith.constant dense<0.000000e+00> : vector<512x512xf32>
    %dot_general3A_299 = tpu.matmul %get3A_1, %get3A_297, %dot_general3A_298 {dimension_numbers = #tpu.dot_dimension_numbers<[1], [0], [0], [1], [0, 0, 1, 1], [], []>, transpose_lhs_hint = false} : vector<512x64xf32>, vector<64x512xf32>, vector<512x512xf32> -> vector<512x512xf32>
    %get3A_300 = arith.constant 4608 : index
    %get3A_301 = vector.load %arg3[%get3A_300] : memref<8192xf32, #tpu.memory_space<vmem>>, vector<512xf32>
    %broadcast_in_dim3A_302 = vector.shape_cast %get3A_301 : vector<512xf32> to vector<1x512xf32>
    %add3A_303 = vector.broadcast %broadcast_in_dim3A_302 : vector<1x512xf32> to vector<512x512xf32>
    %add3A_304 = vector.broadcast %broadcast_in_dim3A : vector<512x1xf32> to vector<512x512xf32>
    %add3A_305 = arith.addf %add3A_303, %add3A_304 : vector<512x512xf32>
    %sub3A_306 = arith.subf %add3A_305, %dot_general3A_299 : vector<512x512xf32>
    %reduce_min3A_307 = arith.constant dense<0x7F800000> : vector<512xf32>
    %reduce_min3A_308 = vector.multi_reduction <minimumf>, %sub3A_306, %reduce_min3A_307 [1] : vector<512x512xf32> to vector<512xf32>
    %get3A_309 = arith.constant 4608 : index
    %get3A_310 = vector.load %arg5[%get3A_309] : memref<8192xf32, #tpu.memory_space<vmem>>, vector<512xf32>
    %broadcast_in_dim3A_311 = vector.shape_cast %get3A_310 : vector<512xf32> to vector<1x512xf32>
    %broadcast_in_dim3A_312 = vector.shape_cast %reduce_min3A_308 : vector<512xf32> to vector<512x1xf32>
    %eq3A_313 = vector.broadcast %broadcast_in_dim3A_312 : vector<512x1xf32> to vector<512x512xf32>
    %eq3A_314 = arith.cmpf oeq, %sub3A_306, %eq3A_313 : vector<512x512xf32>
    %jit3A_315 = arith.constant 1.000000e+09 : f32
    %broadcast_in_dim3A_316 = vector.shape_cast %broadcast_in_dim3A_311 : vector<1x512xf32> to vector<1x512xf32>
    %broadcast_in_dim3A_317 = vector.broadcast %broadcast_in_dim3A_316 : vector<1x512xf32> to vector<512x512xf32>
    %broadcast_in_dim3A_318 = vector.broadcast %jit3A_315 : f32 to vector<512x512xf32>
    %select_n3A_319 = arith.select %eq3A_314, %broadcast_in_dim3A_317, %broadcast_in_dim3A_318 : vector<512x512xi1>, vector<512x512xf32>
    %reduce_min3A_320 = arith.constant dense<0x7F800000> : vector<512xf32>
    %reduce_min3A_321 = vector.multi_reduction <minimumf>, %select_n3A_319, %reduce_min3A_320 [1] : vector<512x512xf32> to vector<512xf32>
    %lt3A_322 = arith.cmpf olt, %reduce_min3A_308, %select_n3A_293 : vector<512xf32>
    %select_n3A_323 = arith.select %lt3A_322, %reduce_min3A_308, %select_n3A_293 : vector<512xi1>, vector<512xf32>
    %select_n3A_324 = arith.select %lt3A_322, %reduce_min3A_321, %select_n3A_294 : vector<512xi1>, vector<512xf32>
    %get3A_325 = arith.constant 0 : index
    %get3A_326 = arith.constant 5120 : index
    %get3A_327 = vector.load %arg2[%get3A_325, %get3A_326] : memref<64x8192xf32, #tpu.memory_space<vmem>>, vector<64x512xf32>
    %dot_general3A_328 = arith.constant dense<0.000000e+00> : vector<512x512xf32>
    %dot_general3A_329 = tpu.matmul %get3A_1, %get3A_327, %dot_general3A_328 {dimension_numbers = #tpu.dot_dimension_numbers<[1], [0], [0], [1], [0, 0, 1, 1], [], []>, transpose_lhs_hint = false} : vector<512x64xf32>, vector<64x512xf32>, vector<512x512xf32> -> vector<512x512xf32>
    %get3A_330 = arith.constant 5120 : index
    %get3A_331 = vector.load %arg3[%get3A_330] : memref<8192xf32, #tpu.memory_space<vmem>>, vector<512xf32>
    %broadcast_in_dim3A_332 = vector.shape_cast %get3A_331 : vector<512xf32> to vector<1x512xf32>
    %add3A_333 = vector.broadcast %broadcast_in_dim3A_332 : vector<1x512xf32> to vector<512x512xf32>
    %add3A_334 = vector.broadcast %broadcast_in_dim3A : vector<512x1xf32> to vector<512x512xf32>
    %add3A_335 = arith.addf %add3A_333, %add3A_334 : vector<512x512xf32>
    %sub3A_336 = arith.subf %add3A_335, %dot_general3A_329 : vector<512x512xf32>
    %reduce_min3A_337 = arith.constant dense<0x7F800000> : vector<512xf32>
    %reduce_min3A_338 = vector.multi_reduction <minimumf>, %sub3A_336, %reduce_min3A_337 [1] : vector<512x512xf32> to vector<512xf32>
    %get3A_339 = arith.constant 5120 : index
    %get3A_340 = vector.load %arg5[%get3A_339] : memref<8192xf32, #tpu.memory_space<vmem>>, vector<512xf32>
    %broadcast_in_dim3A_341 = vector.shape_cast %get3A_340 : vector<512xf32> to vector<1x512xf32>
    %broadcast_in_dim3A_342 = vector.shape_cast %reduce_min3A_338 : vector<512xf32> to vector<512x1xf32>
    %eq3A_343 = vector.broadcast %broadcast_in_dim3A_342 : vector<512x1xf32> to vector<512x512xf32>
    %eq3A_344 = arith.cmpf oeq, %sub3A_336, %eq3A_343 : vector<512x512xf32>
    %jit3A_345 = arith.constant 1.000000e+09 : f32
    %broadcast_in_dim3A_346 = vector.shape_cast %broadcast_in_dim3A_341 : vector<1x512xf32> to vector<1x512xf32>
    %broadcast_in_dim3A_347 = vector.broadcast %broadcast_in_dim3A_346 : vector<1x512xf32> to vector<512x512xf32>
    %broadcast_in_dim3A_348 = vector.broadcast %jit3A_345 : f32 to vector<512x512xf32>
    %select_n3A_349 = arith.select %eq3A_344, %broadcast_in_dim3A_347, %broadcast_in_dim3A_348 : vector<512x512xi1>, vector<512x512xf32>
    %reduce_min3A_350 = arith.constant dense<0x7F800000> : vector<512xf32>
    %reduce_min3A_351 = vector.multi_reduction <minimumf>, %select_n3A_349, %reduce_min3A_350 [1] : vector<512x512xf32> to vector<512xf32>
    %lt3A_352 = arith.cmpf olt, %reduce_min3A_338, %select_n3A_323 : vector<512xf32>
    %select_n3A_353 = arith.select %lt3A_352, %reduce_min3A_338, %select_n3A_323 : vector<512xi1>, vector<512xf32>
    %select_n3A_354 = arith.select %lt3A_352, %reduce_min3A_351, %select_n3A_324 : vector<512xi1>, vector<512xf32>
    %get3A_355 = arith.constant 0 : index
    %get3A_356 = arith.constant 5632 : index
    %get3A_357 = vector.load %arg2[%get3A_355, %get3A_356] : memref<64x8192xf32, #tpu.memory_space<vmem>>, vector<64x512xf32>
    %dot_general3A_358 = arith.constant dense<0.000000e+00> : vector<512x512xf32>
    %dot_general3A_359 = tpu.matmul %get3A_1, %get3A_357, %dot_general3A_358 {dimension_numbers = #tpu.dot_dimension_numbers<[1], [0], [0], [1], [0, 0, 1, 1], [], []>, transpose_lhs_hint = false} : vector<512x64xf32>, vector<64x512xf32>, vector<512x512xf32> -> vector<512x512xf32>
    %get3A_360 = arith.constant 5632 : index
    %get3A_361 = vector.load %arg3[%get3A_360] : memref<8192xf32, #tpu.memory_space<vmem>>, vector<512xf32>
    %broadcast_in_dim3A_362 = vector.shape_cast %get3A_361 : vector<512xf32> to vector<1x512xf32>
    %add3A_363 = vector.broadcast %broadcast_in_dim3A_362 : vector<1x512xf32> to vector<512x512xf32>
    %add3A_364 = vector.broadcast %broadcast_in_dim3A : vector<512x1xf32> to vector<512x512xf32>
    %add3A_365 = arith.addf %add3A_363, %add3A_364 : vector<512x512xf32>
    %sub3A_366 = arith.subf %add3A_365, %dot_general3A_359 : vector<512x512xf32>
    %reduce_min3A_367 = arith.constant dense<0x7F800000> : vector<512xf32>
    %reduce_min3A_368 = vector.multi_reduction <minimumf>, %sub3A_366, %reduce_min3A_367 [1] : vector<512x512xf32> to vector<512xf32>
    %get3A_369 = arith.constant 5632 : index
    %get3A_370 = vector.load %arg5[%get3A_369] : memref<8192xf32, #tpu.memory_space<vmem>>, vector<512xf32>
    %broadcast_in_dim3A_371 = vector.shape_cast %get3A_370 : vector<512xf32> to vector<1x512xf32>
    %broadcast_in_dim3A_372 = vector.shape_cast %reduce_min3A_368 : vector<512xf32> to vector<512x1xf32>
    %eq3A_373 = vector.broadcast %broadcast_in_dim3A_372 : vector<512x1xf32> to vector<512x512xf32>
    %eq3A_374 = arith.cmpf oeq, %sub3A_366, %eq3A_373 : vector<512x512xf32>
    %jit3A_375 = arith.constant 1.000000e+09 : f32
    %broadcast_in_dim3A_376 = vector.shape_cast %broadcast_in_dim3A_371 : vector<1x512xf32> to vector<1x512xf32>
    %broadcast_in_dim3A_377 = vector.broadcast %broadcast_in_dim3A_376 : vector<1x512xf32> to vector<512x512xf32>
    %broadcast_in_dim3A_378 = vector.broadcast %jit3A_375 : f32 to vector<512x512xf32>
    %select_n3A_379 = arith.select %eq3A_374, %broadcast_in_dim3A_377, %broadcast_in_dim3A_378 : vector<512x512xi1>, vector<512x512xf32>
    %reduce_min3A_380 = arith.constant dense<0x7F800000> : vector<512xf32>
    %reduce_min3A_381 = vector.multi_reduction <minimumf>, %select_n3A_379, %reduce_min3A_380 [1] : vector<512x512xf32> to vector<512xf32>
    %lt3A_382 = arith.cmpf olt, %reduce_min3A_368, %select_n3A_353 : vector<512xf32>
    %select_n3A_383 = arith.select %lt3A_382, %reduce_min3A_368, %select_n3A_353 : vector<512xi1>, vector<512xf32>
    %select_n3A_384 = arith.select %lt3A_382, %reduce_min3A_381, %select_n3A_354 : vector<512xi1>, vector<512xf32>
    %lt3A_385 = arith.cmpf olt, %select_n3A_383, %select_n3A_258 : vector<512xf32>
    %convert_element_type3A_386 = arith.truncf %select_n3A_383 : vector<512xf32> to vector<512xbf16>
    %convert_element_type3A_387 = arith.extf %convert_element_type3A_386 : vector<512xbf16> to vector<512xf32>
    %select_n3A_388 = arith.select %lt3A_385, %convert_element_type3A_387, %select_n3A_258 : vector<512xi1>, vector<512xf32>
    %select_n3A_389 = arith.select %lt3A_385, %select_n3A_384, %select_n3A_259 : vector<512xi1>, vector<512xf32>
    %select_n3A_390 = arith.select %lt3A_385, %select_n3A_383, %select_n3A_260 : vector<512xi1>, vector<512xf32>
    %broadcast_in_dim3A_391 = arith.constant 0x7F800000 : f32
    %broadcast_in_dim3A_392 = vector.broadcast %broadcast_in_dim3A_391 : f32 to vector<512xf32>
    %broadcast_in_dim3A_393 = arith.constant 0.000000e+00 : f32
    %broadcast_in_dim3A_394 = vector.broadcast %broadcast_in_dim3A_393 : f32 to vector<512xf32>
    %get3A_395 = arith.constant 0 : index
    %get3A_396 = arith.constant 6144 : index
    %get3A_397 = vector.load %arg2[%get3A_395, %get3A_396] : memref<64x8192xf32, #tpu.memory_space<vmem>>, vector<64x512xf32>
    %dot_general3A_398 = arith.constant dense<0.000000e+00> : vector<512x512xf32>
    %dot_general3A_399 = tpu.matmul %get3A_1, %get3A_397, %dot_general3A_398 {dimension_numbers = #tpu.dot_dimension_numbers<[1], [0], [0], [1], [0, 0, 1, 1], [], []>, transpose_lhs_hint = false} : vector<512x64xf32>, vector<64x512xf32>, vector<512x512xf32> -> vector<512x512xf32>
    %get3A_400 = arith.constant 6144 : index
    %get3A_401 = vector.load %arg3[%get3A_400] : memref<8192xf32, #tpu.memory_space<vmem>>, vector<512xf32>
    %broadcast_in_dim3A_402 = vector.shape_cast %get3A_401 : vector<512xf32> to vector<1x512xf32>
    %add3A_403 = vector.broadcast %broadcast_in_dim3A_402 : vector<1x512xf32> to vector<512x512xf32>
    %add3A_404 = vector.broadcast %broadcast_in_dim3A : vector<512x1xf32> to vector<512x512xf32>
    %add3A_405 = arith.addf %add3A_403, %add3A_404 : vector<512x512xf32>
    %sub3A_406 = arith.subf %add3A_405, %dot_general3A_399 : vector<512x512xf32>
    %reduce_min3A_407 = arith.constant dense<0x7F800000> : vector<512xf32>
    %reduce_min3A_408 = vector.multi_reduction <minimumf>, %sub3A_406, %reduce_min3A_407 [1] : vector<512x512xf32> to vector<512xf32>
    %get3A_409 = arith.constant 6144 : index
    %get3A_410 = vector.load %arg5[%get3A_409] : memref<8192xf32, #tpu.memory_space<vmem>>, vector<512xf32>
    %broadcast_in_dim3A_411 = vector.shape_cast %get3A_410 : vector<512xf32> to vector<1x512xf32>
    %broadcast_in_dim3A_412 = vector.shape_cast %reduce_min3A_408 : vector<512xf32> to vector<512x1xf32>
    %eq3A_413 = vector.broadcast %broadcast_in_dim3A_412 : vector<512x1xf32> to vector<512x512xf32>
    %eq3A_414 = arith.cmpf oeq, %sub3A_406, %eq3A_413 : vector<512x512xf32>
    %jit3A_415 = arith.constant 1.000000e+09 : f32
    %broadcast_in_dim3A_416 = vector.shape_cast %broadcast_in_dim3A_411 : vector<1x512xf32> to vector<1x512xf32>
    %broadcast_in_dim3A_417 = vector.broadcast %broadcast_in_dim3A_416 : vector<1x512xf32> to vector<512x512xf32>
    %broadcast_in_dim3A_418 = vector.broadcast %jit3A_415 : f32 to vector<512x512xf32>
    %select_n3A_419 = arith.select %eq3A_414, %broadcast_in_dim3A_417, %broadcast_in_dim3A_418 : vector<512x512xi1>, vector<512x512xf32>
    %reduce_min3A_420 = arith.constant dense<0x7F800000> : vector<512xf32>
    %reduce_min3A_421 = vector.multi_reduction <minimumf>, %select_n3A_419, %reduce_min3A_420 [1] : vector<512x512xf32> to vector<512xf32>
    %lt3A_422 = arith.cmpf olt, %reduce_min3A_408, %broadcast_in_dim3A_392 : vector<512xf32>
    %select_n3A_423 = arith.select %lt3A_422, %reduce_min3A_408, %broadcast_in_dim3A_392 : vector<512xi1>, vector<512xf32>
    %select_n3A_424 = arith.select %lt3A_422, %reduce_min3A_421, %broadcast_in_dim3A_394 : vector<512xi1>, vector<512xf32>
    %get3A_425 = arith.constant 0 : index
    %get3A_426 = arith.constant 6656 : index
    %get3A_427 = vector.load %arg2[%get3A_425, %get3A_426] : memref<64x8192xf32, #tpu.memory_space<vmem>>, vector<64x512xf32>
    %dot_general3A_428 = arith.constant dense<0.000000e+00> : vector<512x512xf32>
    %dot_general3A_429 = tpu.matmul %get3A_1, %get3A_427, %dot_general3A_428 {dimension_numbers = #tpu.dot_dimension_numbers<[1], [0], [0], [1], [0, 0, 1, 1], [], []>, transpose_lhs_hint = false} : vector<512x64xf32>, vector<64x512xf32>, vector<512x512xf32> -> vector<512x512xf32>
    %get3A_430 = arith.constant 6656 : index
    %get3A_431 = vector.load %arg3[%get3A_430] : memref<8192xf32, #tpu.memory_space<vmem>>, vector<512xf32>
    %broadcast_in_dim3A_432 = vector.shape_cast %get3A_431 : vector<512xf32> to vector<1x512xf32>
    %add3A_433 = vector.broadcast %broadcast_in_dim3A_432 : vector<1x512xf32> to vector<512x512xf32>
    %add3A_434 = vector.broadcast %broadcast_in_dim3A : vector<512x1xf32> to vector<512x512xf32>
    %add3A_435 = arith.addf %add3A_433, %add3A_434 : vector<512x512xf32>
    %sub3A_436 = arith.subf %add3A_435, %dot_general3A_429 : vector<512x512xf32>
    %reduce_min3A_437 = arith.constant dense<0x7F800000> : vector<512xf32>
    %reduce_min3A_438 = vector.multi_reduction <minimumf>, %sub3A_436, %reduce_min3A_437 [1] : vector<512x512xf32> to vector<512xf32>
    %get3A_439 = arith.constant 6656 : index
    %get3A_440 = vector.load %arg5[%get3A_439] : memref<8192xf32, #tpu.memory_space<vmem>>, vector<512xf32>
    %broadcast_in_dim3A_441 = vector.shape_cast %get3A_440 : vector<512xf32> to vector<1x512xf32>
    %broadcast_in_dim3A_442 = vector.shape_cast %reduce_min3A_438 : vector<512xf32> to vector<512x1xf32>
    %eq3A_443 = vector.broadcast %broadcast_in_dim3A_442 : vector<512x1xf32> to vector<512x512xf32>
    %eq3A_444 = arith.cmpf oeq, %sub3A_436, %eq3A_443 : vector<512x512xf32>
    %jit3A_445 = arith.constant 1.000000e+09 : f32
    %broadcast_in_dim3A_446 = vector.shape_cast %broadcast_in_dim3A_441 : vector<1x512xf32> to vector<1x512xf32>
    %broadcast_in_dim3A_447 = vector.broadcast %broadcast_in_dim3A_446 : vector<1x512xf32> to vector<512x512xf32>
    %broadcast_in_dim3A_448 = vector.broadcast %jit3A_445 : f32 to vector<512x512xf32>
    %select_n3A_449 = arith.select %eq3A_444, %broadcast_in_dim3A_447, %broadcast_in_dim3A_448 : vector<512x512xi1>, vector<512x512xf32>
    %reduce_min3A_450 = arith.constant dense<0x7F800000> : vector<512xf32>
    %reduce_min3A_451 = vector.multi_reduction <minimumf>, %select_n3A_449, %reduce_min3A_450 [1] : vector<512x512xf32> to vector<512xf32>
    %lt3A_452 = arith.cmpf olt, %reduce_min3A_438, %select_n3A_423 : vector<512xf32>
    %select_n3A_453 = arith.select %lt3A_452, %reduce_min3A_438, %select_n3A_423 : vector<512xi1>, vector<512xf32>
    %select_n3A_454 = arith.select %lt3A_452, %reduce_min3A_451, %select_n3A_424 : vector<512xi1>, vector<512xf32>
    %get3A_455 = arith.constant 0 : index
    %get3A_456 = arith.constant 7168 : index
    %get3A_457 = vector.load %arg2[%get3A_455, %get3A_456] : memref<64x8192xf32, #tpu.memory_space<vmem>>, vector<64x512xf32>
    %dot_general3A_458 = arith.constant dense<0.000000e+00> : vector<512x512xf32>
    %dot_general3A_459 = tpu.matmul %get3A_1, %get3A_457, %dot_general3A_458 {dimension_numbers = #tpu.dot_dimension_numbers<[1], [0], [0], [1], [0, 0, 1, 1], [], []>, transpose_lhs_hint = false} : vector<512x64xf32>, vector<64x512xf32>, vector<512x512xf32> -> vector<512x512xf32>
    %get3A_460 = arith.constant 7168 : index
    %get3A_461 = vector.load %arg3[%get3A_460] : memref<8192xf32, #tpu.memory_space<vmem>>, vector<512xf32>
    %broadcast_in_dim3A_462 = vector.shape_cast %get3A_461 : vector<512xf32> to vector<1x512xf32>
    %add3A_463 = vector.broadcast %broadcast_in_dim3A_462 : vector<1x512xf32> to vector<512x512xf32>
    %add3A_464 = vector.broadcast %broadcast_in_dim3A : vector<512x1xf32> to vector<512x512xf32>
    %add3A_465 = arith.addf %add3A_463, %add3A_464 : vector<512x512xf32>
    %sub3A_466 = arith.subf %add3A_465, %dot_general3A_459 : vector<512x512xf32>
    %reduce_min3A_467 = arith.constant dense<0x7F800000> : vector<512xf32>
    %reduce_min3A_468 = vector.multi_reduction <minimumf>, %sub3A_466, %reduce_min3A_467 [1] : vector<512x512xf32> to vector<512xf32>
    %get3A_469 = arith.constant 7168 : index
    %get3A_470 = vector.load %arg5[%get3A_469] : memref<8192xf32, #tpu.memory_space<vmem>>, vector<512xf32>
    %broadcast_in_dim3A_471 = vector.shape_cast %get3A_470 : vector<512xf32> to vector<1x512xf32>
    %broadcast_in_dim3A_472 = vector.shape_cast %reduce_min3A_468 : vector<512xf32> to vector<512x1xf32>
    %eq3A_473 = vector.broadcast %broadcast_in_dim3A_472 : vector<512x1xf32> to vector<512x512xf32>
    %eq3A_474 = arith.cmpf oeq, %sub3A_466, %eq3A_473 : vector<512x512xf32>
    %jit3A_475 = arith.constant 1.000000e+09 : f32
    %broadcast_in_dim3A_476 = vector.shape_cast %broadcast_in_dim3A_471 : vector<1x512xf32> to vector<1x512xf32>
    %broadcast_in_dim3A_477 = vector.broadcast %broadcast_in_dim3A_476 : vector<1x512xf32> to vector<512x512xf32>
    %broadcast_in_dim3A_478 = vector.broadcast %jit3A_475 : f32 to vector<512x512xf32>
    %select_n3A_479 = arith.select %eq3A_474, %broadcast_in_dim3A_477, %broadcast_in_dim3A_478 : vector<512x512xi1>, vector<512x512xf32>
    %reduce_min3A_480 = arith.constant dense<0x7F800000> : vector<512xf32>
    %reduce_min3A_481 = vector.multi_reduction <minimumf>, %select_n3A_479, %reduce_min3A_480 [1] : vector<512x512xf32> to vector<512xf32>
    %lt3A_482 = arith.cmpf olt, %reduce_min3A_468, %select_n3A_453 : vector<512xf32>
    %select_n3A_483 = arith.select %lt3A_482, %reduce_min3A_468, %select_n3A_453 : vector<512xi1>, vector<512xf32>
    %select_n3A_484 = arith.select %lt3A_482, %reduce_min3A_481, %select_n3A_454 : vector<512xi1>, vector<512xf32>
    %get3A_485 = arith.constant 0 : index
    %get3A_486 = arith.constant 7680 : index
    %get3A_487 = vector.load %arg2[%get3A_485, %get3A_486] : memref<64x8192xf32, #tpu.memory_space<vmem>>, vector<64x512xf32>
    %dot_general3A_488 = arith.constant dense<0.000000e+00> : vector<512x512xf32>
    %dot_general3A_489 = tpu.matmul %get3A_1, %get3A_487, %dot_general3A_488 {dimension_numbers = #tpu.dot_dimension_numbers<[1], [0], [0], [1], [0, 0, 1, 1], [], []>, transpose_lhs_hint = false} : vector<512x64xf32>, vector<64x512xf32>, vector<512x512xf32> -> vector<512x512xf32>
    %get3A_490 = arith.constant 7680 : index
    %get3A_491 = vector.load %arg3[%get3A_490] : memref<8192xf32, #tpu.memory_space<vmem>>, vector<512xf32>
    %broadcast_in_dim3A_492 = vector.shape_cast %get3A_491 : vector<512xf32> to vector<1x512xf32>
    %add3A_493 = vector.broadcast %broadcast_in_dim3A_492 : vector<1x512xf32> to vector<512x512xf32>
    %add3A_494 = vector.broadcast %broadcast_in_dim3A : vector<512x1xf32> to vector<512x512xf32>
    %add3A_495 = arith.addf %add3A_493, %add3A_494 : vector<512x512xf32>
    %sub3A_496 = arith.subf %add3A_495, %dot_general3A_489 : vector<512x512xf32>
    %reduce_min3A_497 = arith.constant dense<0x7F800000> : vector<512xf32>
    %reduce_min3A_498 = vector.multi_reduction <minimumf>, %sub3A_496, %reduce_min3A_497 [1] : vector<512x512xf32> to vector<512xf32>
    %get3A_499 = arith.constant 7680 : index
    %get3A_500 = vector.load %arg5[%get3A_499] : memref<8192xf32, #tpu.memory_space<vmem>>, vector<512xf32>
    %broadcast_in_dim3A_501 = vector.shape_cast %get3A_500 : vector<512xf32> to vector<1x512xf32>
    %broadcast_in_dim3A_502 = vector.shape_cast %reduce_min3A_498 : vector<512xf32> to vector<512x1xf32>
    %eq3A_503 = vector.broadcast %broadcast_in_dim3A_502 : vector<512x1xf32> to vector<512x512xf32>
    %eq3A_504 = arith.cmpf oeq, %sub3A_496, %eq3A_503 : vector<512x512xf32>
    %jit3A_505 = arith.constant 1.000000e+09 : f32
    %broadcast_in_dim3A_506 = vector.shape_cast %broadcast_in_dim3A_501 : vector<1x512xf32> to vector<1x512xf32>
    %broadcast_in_dim3A_507 = vector.broadcast %broadcast_in_dim3A_506 : vector<1x512xf32> to vector<512x512xf32>
    %broadcast_in_dim3A_508 = vector.broadcast %jit3A_505 : f32 to vector<512x512xf32>
    %select_n3A_509 = arith.select %eq3A_504, %broadcast_in_dim3A_507, %broadcast_in_dim3A_508 : vector<512x512xi1>, vector<512x512xf32>
    %reduce_min3A_510 = arith.constant dense<0x7F800000> : vector<512xf32>
    %reduce_min3A_511 = vector.multi_reduction <minimumf>, %select_n3A_509, %reduce_min3A_510 [1] : vector<512x512xf32> to vector<512xf32>
    %lt3A_512 = arith.cmpf olt, %reduce_min3A_498, %select_n3A_483 : vector<512xf32>
    %select_n3A_513 = arith.select %lt3A_512, %reduce_min3A_498, %select_n3A_483 : vector<512xi1>, vector<512xf32>
    %select_n3A_514 = arith.select %lt3A_512, %reduce_min3A_511, %select_n3A_484 : vector<512xi1>, vector<512xf32>
    %lt3A_515 = arith.cmpf olt, %select_n3A_513, %select_n3A_388 : vector<512xf32>
    %select_n3A_516 = arith.select %lt3A_515, %select_n3A_514, %select_n3A_389 : vector<512xi1>, vector<512xf32>
    %select_n3A_517 = arith.select %lt3A_515, %select_n3A_513, %select_n3A_390 : vector<512xi1>, vector<512xf32>
    %convert_element_type3A_518 = arith.fptosi %select_n3A_516 : vector<512xf32> to vector<512xi32>
    %swap3A = arith.constant 0 : index
    %swap3A_519 = vector.load %arg6[%swap3A] : memref<512xi32, #tpu.memory_space<vmem>>, vector<512xi32>
    tpu.vector_store %arg6[%swap3A], %convert_element_type3A_518 {strides = array<i32>} : memref<512xi32, #tpu.memory_space<vmem>>, vector<512xi32>,
    %swap3A_520 = arith.constant 0 : index
    %swap3A_521 = vector.load %arg7[%swap3A_520] : memref<512xf32, #tpu.memory_space<vmem>>, vector<512xf32>
    tpu.vector_store %arg7[%swap3A_520], %select_n3A_517 {strides = array<i32>} : memref<512xf32, #tpu.memory_space<vmem>>, vector<512xf32>,
    return
  }
  func.func @transform_0(%arg0: i32) -> (i32, i32) {
    %c0_i32 = arith.constant 0 : i32
    %c0_i32_0 = arith.constant 0 : i32
    return %arg0, %c0_i32 : i32, i32
  }
  func.func @transform_1(%arg0: i32) -> (i32, i32) {
    %c0_i32 = arith.constant 0 : i32
    %c0_i32_0 = arith.constant 0 : i32
    %c0_i32_1 = arith.constant 0 : i32
    return %c0_i32, %c0_i32_0 : i32, i32
  }
  func.func @transform_2(%arg0: i32) -> i32 {
    %c0_i32 = arith.constant 0 : i32
    %c0_i32_0 = arith.constant 0 : i32
    return %c0_i32 : i32
  }
  func.func @transform_3(%arg0: i32) -> i32 {
    %c0_i32 = arith.constant 0 : i32
    return %arg0 : i32
  }
  func.func @transform_4(%arg0: i32) -> i32 {
    %c0_i32 = arith.constant 0 : i32
    %c0_i32_0 = arith.constant 0 : i32
    return %c0_i32 : i32
  }
  func.func @transform_5(%arg0: i32) -> i32 {
    %c0_i32 = arith.constant 0 : i32
    return %arg0 : i32
  }
  func.func @transform_6(%arg0: i32) -> i32 {
    %c0_i32 = arith.constant 0 : i32
    return %arg0 : i32
  }
}

module attributes {stable_mosaic.version = 14 : i64} {
  func.func @_decoder_body(%arg0: i32, %arg1: memref<256x64xf32, #tpu.memory_space<vmem>>, %arg2: memref<256x512xf32, #tpu.memory_space<vmem>>, %arg3: memref<256xi32, #tpu.memory_space<vmem>>, %arg4: memref<256xf32, #tpu.memory_space<vmem>>, %arg5: memref<64xf32, #tpu.memory_space<vmem>>, %arg6: memref<64xf32, #tpu.memory_space<vmem>>, %arg7: memref<64x512xf32, #tpu.memory_space<vmem>>, %arg8: memref<512xf32, #tpu.memory_space<vmem>>, %arg9: memref<512xf32, #tpu.memory_space<vmem>>, %arg10: memref<512x8192xf32, #tpu.memory_space<vmem>>, %arg11: memref<256xf32, #tpu.memory_space<vmem>>) attributes {dimension_semantics = [#tpu.dimension_semantics<arbitrary>], iteration_bounds = array<i64: 32>, scalar_prefetch = 0 : i64, scratch_operands = 0 : i64, tpu.core_type = #tpu.core_type<tc>, window_params = [{transform_indices = @transform_0, window_bounds = array<i64: 256, 64>}, {transform_indices = @transform_1, window_bounds = array<i64: 256, 512>}, {transform_indices = @transform_2, window_bounds = array<i64: 256>}, {transform_indices = @transform_3, window_bounds = array<i64: 256>}, {pipeline_mode = #tpu.pipeline_mode<synchronous>, transform_indices = @transform_4, window_bounds = array<i64: 64>}, {pipeline_mode = #tpu.pipeline_mode<synchronous>, transform_indices = @transform_5, window_bounds = array<i64: 64>}, {pipeline_mode = #tpu.pipeline_mode<synchronous>, transform_indices = @transform_6, window_bounds = array<i64: 64, 512>}, {pipeline_mode = #tpu.pipeline_mode<synchronous>, transform_indices = @transform_7, window_bounds = array<i64: 512>}, {pipeline_mode = #tpu.pipeline_mode<synchronous>, transform_indices = @transform_8, window_bounds = array<i64: 512>}, {pipeline_mode = #tpu.pipeline_mode<synchronous>, transform_indices = @transform_9, window_bounds = array<i64: 512, 8192>}, {transform_indices = @transform_10, window_bounds = array<i64: 256>}]} {
    %get3A = arith.constant 0 : index
    %get3A_0 = arith.constant 0 : index
    %get3A_1 = vector.load %arg1[%get3A, %get3A_0] : memref<256x64xf32, #tpu.memory_space<vmem>>, vector<256x64xf32>
    %reduce_sum3A = arith.constant dense<0.000000e+00> : vector<256xf32>
    %reduce_sum3A_2 = vector.multi_reduction <add>, %get3A_1, %reduce_sum3A [1] : vector<256x64xf32> to vector<256xf32>
    %broadcast_in_dim3A = vector.shape_cast %reduce_sum3A_2 : vector<256xf32> to vector<256x1xf32>
    %div3A = arith.constant 6.400000e+01 : f32
    %div3A_3 = vector.broadcast %div3A : f32 to vector<256x1xf32>
    %div3A_4 = arith.divf %broadcast_in_dim3A, %div3A_3 : vector<256x1xf32>
    %sub3A = vector.broadcast %div3A_4 : vector<256x1xf32> to vector<256x64xf32>
    %sub3A_5 = arith.subf %get3A_1, %sub3A : vector<256x64xf32>
    %integer_pow3A = arith.mulf %sub3A_5, %sub3A_5 : vector<256x64xf32>
    %reduce_sum3A_6 = arith.constant dense<0.000000e+00> : vector<256xf32>
    %reduce_sum3A_7 = vector.multi_reduction <add>, %integer_pow3A, %reduce_sum3A_6 [1] : vector<256x64xf32> to vector<256xf32>
    %broadcast_in_dim3A_8 = vector.shape_cast %reduce_sum3A_7 : vector<256xf32> to vector<256x1xf32>
    %div3A_9 = arith.constant 6.400000e+01 : f32
    %div3A_10 = vector.broadcast %div3A_9 : f32 to vector<256x1xf32>
    %div3A_11 = arith.divf %broadcast_in_dim3A_8, %div3A_10 : vector<256x1xf32>
    %sub3A_12 = vector.broadcast %div3A_4 : vector<256x1xf32> to vector<256x64xf32>
    %sub3A_13 = arith.subf %get3A_1, %sub3A_12 : vector<256x64xf32>
    %add3A = arith.constant 9.99999974E-6 : f32
    %add3A_14 = vector.broadcast %add3A : f32 to vector<256x1xf32>
    %add3A_15 = arith.addf %div3A_11, %add3A_14 : vector<256x1xf32>
    %sqrt3A = math.sqrt %add3A_15 : vector<256x1xf32>
    %div3A_16 = vector.broadcast %sqrt3A : vector<256x1xf32> to vector<256x64xf32>
    %div3A_17 = arith.divf %sub3A_13, %div3A_16 : vector<256x64xf32>
    %get3A_18 = arith.constant 0 : index
    %get3A_19 = vector.load %arg5[%get3A_18] : memref<64xf32, #tpu.memory_space<vmem>>, vector<64xf32>
    %broadcast_in_dim3A_20 = vector.shape_cast %get3A_19 : vector<64xf32> to vector<1x64xf32>
    %mul3A = vector.broadcast %broadcast_in_dim3A_20 : vector<1x64xf32> to vector<256x64xf32>
    %mul3A_21 = arith.mulf %div3A_17, %mul3A : vector<256x64xf32>
    %get3A_22 = arith.constant 0 : index
    %get3A_23 = vector.load %arg6[%get3A_22] : memref<64xf32, #tpu.memory_space<vmem>>, vector<64xf32>
    %broadcast_in_dim3A_24 = vector.shape_cast %get3A_23 : vector<64xf32> to vector<1x64xf32>
    %add3A_25 = vector.broadcast %broadcast_in_dim3A_24 : vector<1x64xf32> to vector<256x64xf32>
    %add3A_26 = arith.addf %mul3A_21, %add3A_25 : vector<256x64xf32>
    %max3A = arith.constant 0.000000e+00 : f32
    %max3A_27 = vector.broadcast %max3A : f32 to vector<256x64xf32>
    %max3A_28 = arith.maximumf %add3A_26, %max3A_27 : vector<256x64xf32>
    %get3A_29 = arith.constant 0 : index
    %get3A_30 = arith.constant 0 : index
    %get3A_31 = vector.load %arg7[%get3A_29, %get3A_30] : memref<64x512xf32, #tpu.memory_space<vmem>>, vector<64x512xf32>
    %dot_general3A = arith.constant dense<0.000000e+00> : vector<256x512xf32>
    %dot_general3A_32 = tpu.matmul %max3A_28, %get3A_31, %dot_general3A {dimension_numbers = #tpu.dot_dimension_numbers<[1], [0], [0], [1], [0, 0, 1, 1], [], []>, transpose_lhs_hint = false} : vector<256x64xf32>, vector<64x512xf32>, vector<256x512xf32> -> vector<256x512xf32>
    %reduce_sum3A_33 = arith.constant dense<0.000000e+00> : vector<256xf32>
    %reduce_sum3A_34 = vector.multi_reduction <add>, %dot_general3A_32, %reduce_sum3A_33 [1] : vector<256x512xf32> to vector<256xf32>
    %broadcast_in_dim3A_35 = vector.shape_cast %reduce_sum3A_34 : vector<256xf32> to vector<256x1xf32>
    %div3A_36 = arith.constant 5.120000e+02 : f32
    %div3A_37 = vector.broadcast %div3A_36 : f32 to vector<256x1xf32>
    %div3A_38 = arith.divf %broadcast_in_dim3A_35, %div3A_37 : vector<256x1xf32>
    %sub3A_39 = vector.broadcast %div3A_38 : vector<256x1xf32> to vector<256x512xf32>
    %sub3A_40 = arith.subf %dot_general3A_32, %sub3A_39 : vector<256x512xf32>
    %integer_pow3A_41 = arith.mulf %sub3A_40, %sub3A_40 : vector<256x512xf32>
    %reduce_sum3A_42 = arith.constant dense<0.000000e+00> : vector<256xf32>
    %reduce_sum3A_43 = vector.multi_reduction <add>, %integer_pow3A_41, %reduce_sum3A_42 [1] : vector<256x512xf32> to vector<256xf32>
    %broadcast_in_dim3A_44 = vector.shape_cast %reduce_sum3A_43 : vector<256xf32> to vector<256x1xf32>
    %div3A_45 = arith.constant 5.120000e+02 : f32
    %div3A_46 = vector.broadcast %div3A_45 : f32 to vector<256x1xf32>
    %div3A_47 = arith.divf %broadcast_in_dim3A_44, %div3A_46 : vector<256x1xf32>
    %sub3A_48 = vector.broadcast %div3A_38 : vector<256x1xf32> to vector<256x512xf32>
    %sub3A_49 = arith.subf %dot_general3A_32, %sub3A_48 : vector<256x512xf32>
    %add3A_50 = arith.constant 9.99999974E-6 : f32
    %add3A_51 = vector.broadcast %add3A_50 : f32 to vector<256x1xf32>
    %add3A_52 = arith.addf %div3A_47, %add3A_51 : vector<256x1xf32>
    %sqrt3A_53 = math.sqrt %add3A_52 : vector<256x1xf32>
    %div3A_54 = vector.broadcast %sqrt3A_53 : vector<256x1xf32> to vector<256x512xf32>
    %div3A_55 = arith.divf %sub3A_49, %div3A_54 : vector<256x512xf32>
    %get3A_56 = arith.constant 0 : index
    %get3A_57 = vector.load %arg8[%get3A_56] : memref<512xf32, #tpu.memory_space<vmem>>, vector<512xf32>
    %broadcast_in_dim3A_58 = vector.shape_cast %get3A_57 : vector<512xf32> to vector<1x512xf32>
    %mul3A_59 = vector.broadcast %broadcast_in_dim3A_58 : vector<1x512xf32> to vector<256x512xf32>
    %mul3A_60 = arith.mulf %div3A_55, %mul3A_59 : vector<256x512xf32>
    %get3A_61 = arith.constant 0 : index
    %get3A_62 = vector.load %arg9[%get3A_61] : memref<512xf32, #tpu.memory_space<vmem>>, vector<512xf32>
    %broadcast_in_dim3A_63 = vector.shape_cast %get3A_62 : vector<512xf32> to vector<1x512xf32>
    %add3A_64 = vector.broadcast %broadcast_in_dim3A_63 : vector<1x512xf32> to vector<256x512xf32>
    %add3A_65 = arith.addf %mul3A_60, %add3A_64 : vector<256x512xf32>
    %max3A_66 = arith.constant 0.000000e+00 : f32
    %max3A_67 = vector.broadcast %max3A_66 : f32 to vector<256x512xf32>
    %max3A_68 = arith.maximumf %add3A_65, %max3A_67 : vector<256x512xf32>
    %broadcast_in_dim3A_69 = arith.constant 0.000000e+00 : f32
    %broadcast_in_dim3A_70 = vector.broadcast %broadcast_in_dim3A_69 : f32 to vector<256xf32>
    %get3A_71 = arith.constant 0 : index
    %get3A_72 = arith.constant 0 : index
    %get3A_73 = vector.load %arg10[%get3A_71, %get3A_72] : memref<512x8192xf32, #tpu.memory_space<vmem>>, vector<512x512xf32>
    %dot_general3A_74 = arith.constant dense<0.000000e+00> : vector<256x512xf32>
    %dot_general3A_75 = tpu.matmul %max3A_68, %get3A_73, %dot_general3A_74 {dimension_numbers = #tpu.dot_dimension_numbers<[1], [0], [0], [1], [0, 0, 1, 1], [], []>, transpose_lhs_hint = false} : vector<256x512xf32>, vector<512x512xf32>, vector<256x512xf32> -> vector<256x512xf32>
    %sub3A_76 = arith.constant 2.000000e+01 : f32
    %sub3A_77 = vector.broadcast %sub3A_76 : f32 to vector<256x512xf32>
    %sub3A_78 = arith.subf %dot_general3A_75, %sub3A_77 : vector<256x512xf32>
    %exp3A = math.exp %sub3A_78 : vector<256x512xf32>
    %reduce_sum3A_79 = arith.constant dense<0.000000e+00> : vector<256xf32>
    %reduce_sum3A_80 = vector.multi_reduction <add>, %exp3A, %reduce_sum3A_79 [1] : vector<256x512xf32> to vector<256xf32>
    %add3A_81 = arith.addf %broadcast_in_dim3A_70, %reduce_sum3A_80 : vector<256xf32>
    %get3A_82 = arith.constant 0 : index
    %get3A_83 = arith.constant 512 : index
    %get3A_84 = vector.load %arg10[%get3A_82, %get3A_83] : memref<512x8192xf32, #tpu.memory_space<vmem>>, vector<512x512xf32>
    %dot_general3A_85 = arith.constant dense<0.000000e+00> : vector<256x512xf32>
    %dot_general3A_86 = tpu.matmul %max3A_68, %get3A_84, %dot_general3A_85 {dimension_numbers = #tpu.dot_dimension_numbers<[1], [0], [0], [1], [0, 0, 1, 1], [], []>, transpose_lhs_hint = false} : vector<256x512xf32>, vector<512x512xf32>, vector<256x512xf32> -> vector<256x512xf32>
    %sub3A_87 = arith.constant 2.000000e+01 : f32
    %sub3A_88 = vector.broadcast %sub3A_87 : f32 to vector<256x512xf32>
    %sub3A_89 = arith.subf %dot_general3A_86, %sub3A_88 : vector<256x512xf32>
    %exp3A_90 = math.exp %sub3A_89 : vector<256x512xf32>
    %reduce_sum3A_91 = arith.constant dense<0.000000e+00> : vector<256xf32>
    %reduce_sum3A_92 = vector.multi_reduction <add>, %exp3A_90, %reduce_sum3A_91 [1] : vector<256x512xf32> to vector<256xf32>
    %add3A_93 = arith.addf %add3A_81, %reduce_sum3A_92 : vector<256xf32>
    %get3A_94 = arith.constant 0 : index
    %get3A_95 = arith.constant 1024 : index
    %get3A_96 = vector.load %arg10[%get3A_94, %get3A_95] : memref<512x8192xf32, #tpu.memory_space<vmem>>, vector<512x512xf32>
    %dot_general3A_97 = arith.constant dense<0.000000e+00> : vector<256x512xf32>
    %dot_general3A_98 = tpu.matmul %max3A_68, %get3A_96, %dot_general3A_97 {dimension_numbers = #tpu.dot_dimension_numbers<[1], [0], [0], [1], [0, 0, 1, 1], [], []>, transpose_lhs_hint = false} : vector<256x512xf32>, vector<512x512xf32>, vector<256x512xf32> -> vector<256x512xf32>
    %sub3A_99 = arith.constant 2.000000e+01 : f32
    %sub3A_100 = vector.broadcast %sub3A_99 : f32 to vector<256x512xf32>
    %sub3A_101 = arith.subf %dot_general3A_98, %sub3A_100 : vector<256x512xf32>
    %exp3A_102 = math.exp %sub3A_101 : vector<256x512xf32>
    %reduce_sum3A_103 = arith.constant dense<0.000000e+00> : vector<256xf32>
    %reduce_sum3A_104 = vector.multi_reduction <add>, %exp3A_102, %reduce_sum3A_103 [1] : vector<256x512xf32> to vector<256xf32>
    %add3A_105 = arith.addf %add3A_93, %reduce_sum3A_104 : vector<256xf32>
    %get3A_106 = arith.constant 0 : index
    %get3A_107 = arith.constant 1536 : index
    %get3A_108 = vector.load %arg10[%get3A_106, %get3A_107] : memref<512x8192xf32, #tpu.memory_space<vmem>>, vector<512x512xf32>
    %dot_general3A_109 = arith.constant dense<0.000000e+00> : vector<256x512xf32>
    %dot_general3A_110 = tpu.matmul %max3A_68, %get3A_108, %dot_general3A_109 {dimension_numbers = #tpu.dot_dimension_numbers<[1], [0], [0], [1], [0, 0, 1, 1], [], []>, transpose_lhs_hint = false} : vector<256x512xf32>, vector<512x512xf32>, vector<256x512xf32> -> vector<256x512xf32>
    %sub3A_111 = arith.constant 2.000000e+01 : f32
    %sub3A_112 = vector.broadcast %sub3A_111 : f32 to vector<256x512xf32>
    %sub3A_113 = arith.subf %dot_general3A_110, %sub3A_112 : vector<256x512xf32>
    %exp3A_114 = math.exp %sub3A_113 : vector<256x512xf32>
    %reduce_sum3A_115 = arith.constant dense<0.000000e+00> : vector<256xf32>
    %reduce_sum3A_116 = vector.multi_reduction <add>, %exp3A_114, %reduce_sum3A_115 [1] : vector<256x512xf32> to vector<256xf32>
    %add3A_117 = arith.addf %add3A_105, %reduce_sum3A_116 : vector<256xf32>
    %get3A_118 = arith.constant 0 : index
    %get3A_119 = arith.constant 2048 : index
    %get3A_120 = vector.load %arg10[%get3A_118, %get3A_119] : memref<512x8192xf32, #tpu.memory_space<vmem>>, vector<512x512xf32>
    %dot_general3A_121 = arith.constant dense<0.000000e+00> : vector<256x512xf32>
    %dot_general3A_122 = tpu.matmul %max3A_68, %get3A_120, %dot_general3A_121 {dimension_numbers = #tpu.dot_dimension_numbers<[1], [0], [0], [1], [0, 0, 1, 1], [], []>, transpose_lhs_hint = false} : vector<256x512xf32>, vector<512x512xf32>, vector<256x512xf32> -> vector<256x512xf32>
    %sub3A_123 = arith.constant 2.000000e+01 : f32
    %sub3A_124 = vector.broadcast %sub3A_123 : f32 to vector<256x512xf32>
    %sub3A_125 = arith.subf %dot_general3A_122, %sub3A_124 : vector<256x512xf32>
    %exp3A_126 = math.exp %sub3A_125 : vector<256x512xf32>
    %reduce_sum3A_127 = arith.constant dense<0.000000e+00> : vector<256xf32>
    %reduce_sum3A_128 = vector.multi_reduction <add>, %exp3A_126, %reduce_sum3A_127 [1] : vector<256x512xf32> to vector<256xf32>
    %add3A_129 = arith.addf %add3A_117, %reduce_sum3A_128 : vector<256xf32>
    %get3A_130 = arith.constant 0 : index
    %get3A_131 = arith.constant 2560 : index
    %get3A_132 = vector.load %arg10[%get3A_130, %get3A_131] : memref<512x8192xf32, #tpu.memory_space<vmem>>, vector<512x512xf32>
    %dot_general3A_133 = arith.constant dense<0.000000e+00> : vector<256x512xf32>
    %dot_general3A_134 = tpu.matmul %max3A_68, %get3A_132, %dot_general3A_133 {dimension_numbers = #tpu.dot_dimension_numbers<[1], [0], [0], [1], [0, 0, 1, 1], [], []>, transpose_lhs_hint = false} : vector<256x512xf32>, vector<512x512xf32>, vector<256x512xf32> -> vector<256x512xf32>
    %sub3A_135 = arith.constant 2.000000e+01 : f32
    %sub3A_136 = vector.broadcast %sub3A_135 : f32 to vector<256x512xf32>
    %sub3A_137 = arith.subf %dot_general3A_134, %sub3A_136 : vector<256x512xf32>
    %exp3A_138 = math.exp %sub3A_137 : vector<256x512xf32>
    %reduce_sum3A_139 = arith.constant dense<0.000000e+00> : vector<256xf32>
    %reduce_sum3A_140 = vector.multi_reduction <add>, %exp3A_138, %reduce_sum3A_139 [1] : vector<256x512xf32> to vector<256xf32>
    %add3A_141 = arith.addf %add3A_129, %reduce_sum3A_140 : vector<256xf32>
    %get3A_142 = arith.constant 0 : index
    %get3A_143 = arith.constant 3072 : index
    %get3A_144 = vector.load %arg10[%get3A_142, %get3A_143] : memref<512x8192xf32, #tpu.memory_space<vmem>>, vector<512x512xf32>
    %dot_general3A_145 = arith.constant dense<0.000000e+00> : vector<256x512xf32>
    %dot_general3A_146 = tpu.matmul %max3A_68, %get3A_144, %dot_general3A_145 {dimension_numbers = #tpu.dot_dimension_numbers<[1], [0], [0], [1], [0, 0, 1, 1], [], []>, transpose_lhs_hint = false} : vector<256x512xf32>, vector<512x512xf32>, vector<256x512xf32> -> vector<256x512xf32>
    %sub3A_147 = arith.constant 2.000000e+01 : f32
    %sub3A_148 = vector.broadcast %sub3A_147 : f32 to vector<256x512xf32>
    %sub3A_149 = arith.subf %dot_general3A_146, %sub3A_148 : vector<256x512xf32>
    %exp3A_150 = math.exp %sub3A_149 : vector<256x512xf32>
    %reduce_sum3A_151 = arith.constant dense<0.000000e+00> : vector<256xf32>
    %reduce_sum3A_152 = vector.multi_reduction <add>, %exp3A_150, %reduce_sum3A_151 [1] : vector<256x512xf32> to vector<256xf32>
    %add3A_153 = arith.addf %add3A_141, %reduce_sum3A_152 : vector<256xf32>
    %get3A_154 = arith.constant 0 : index
    %get3A_155 = arith.constant 3584 : index
    %get3A_156 = vector.load %arg10[%get3A_154, %get3A_155] : memref<512x8192xf32, #tpu.memory_space<vmem>>, vector<512x512xf32>
    %dot_general3A_157 = arith.constant dense<0.000000e+00> : vector<256x512xf32>
    %dot_general3A_158 = tpu.matmul %max3A_68, %get3A_156, %dot_general3A_157 {dimension_numbers = #tpu.dot_dimension_numbers<[1], [0], [0], [1], [0, 0, 1, 1], [], []>, transpose_lhs_hint = false} : vector<256x512xf32>, vector<512x512xf32>, vector<256x512xf32> -> vector<256x512xf32>
    %sub3A_159 = arith.constant 2.000000e+01 : f32
    %sub3A_160 = vector.broadcast %sub3A_159 : f32 to vector<256x512xf32>
    %sub3A_161 = arith.subf %dot_general3A_158, %sub3A_160 : vector<256x512xf32>
    %exp3A_162 = math.exp %sub3A_161 : vector<256x512xf32>
    %reduce_sum3A_163 = arith.constant dense<0.000000e+00> : vector<256xf32>
    %reduce_sum3A_164 = vector.multi_reduction <add>, %exp3A_162, %reduce_sum3A_163 [1] : vector<256x512xf32> to vector<256xf32>
    %add3A_165 = arith.addf %add3A_153, %reduce_sum3A_164 : vector<256xf32>
    %get3A_166 = arith.constant 0 : index
    %get3A_167 = arith.constant 4096 : index
    %get3A_168 = vector.load %arg10[%get3A_166, %get3A_167] : memref<512x8192xf32, #tpu.memory_space<vmem>>, vector<512x512xf32>
    %dot_general3A_169 = arith.constant dense<0.000000e+00> : vector<256x512xf32>
    %dot_general3A_170 = tpu.matmul %max3A_68, %get3A_168, %dot_general3A_169 {dimension_numbers = #tpu.dot_dimension_numbers<[1], [0], [0], [1], [0, 0, 1, 1], [], []>, transpose_lhs_hint = false} : vector<256x512xf32>, vector<512x512xf32>, vector<256x512xf32> -> vector<256x512xf32>
    %sub3A_171 = arith.constant 2.000000e+01 : f32
    %sub3A_172 = vector.broadcast %sub3A_171 : f32 to vector<256x512xf32>
    %sub3A_173 = arith.subf %dot_general3A_170, %sub3A_172 : vector<256x512xf32>
    %exp3A_174 = math.exp %sub3A_173 : vector<256x512xf32>
    %reduce_sum3A_175 = arith.constant dense<0.000000e+00> : vector<256xf32>
    %reduce_sum3A_176 = vector.multi_reduction <add>, %exp3A_174, %reduce_sum3A_175 [1] : vector<256x512xf32> to vector<256xf32>
    %add3A_177 = arith.addf %add3A_165, %reduce_sum3A_176 : vector<256xf32>
    %get3A_178 = arith.constant 0 : index
    %get3A_179 = arith.constant 4608 : index
    %get3A_180 = vector.load %arg10[%get3A_178, %get3A_179] : memref<512x8192xf32, #tpu.memory_space<vmem>>, vector<512x512xf32>
    %dot_general3A_181 = arith.constant dense<0.000000e+00> : vector<256x512xf32>
    %dot_general3A_182 = tpu.matmul %max3A_68, %get3A_180, %dot_general3A_181 {dimension_numbers = #tpu.dot_dimension_numbers<[1], [0], [0], [1], [0, 0, 1, 1], [], []>, transpose_lhs_hint = false} : vector<256x512xf32>, vector<512x512xf32>, vector<256x512xf32> -> vector<256x512xf32>
    %sub3A_183 = arith.constant 2.000000e+01 : f32
    %sub3A_184 = vector.broadcast %sub3A_183 : f32 to vector<256x512xf32>
    %sub3A_185 = arith.subf %dot_general3A_182, %sub3A_184 : vector<256x512xf32>
    %exp3A_186 = math.exp %sub3A_185 : vector<256x512xf32>
    %reduce_sum3A_187 = arith.constant dense<0.000000e+00> : vector<256xf32>
    %reduce_sum3A_188 = vector.multi_reduction <add>, %exp3A_186, %reduce_sum3A_187 [1] : vector<256x512xf32> to vector<256xf32>
    %add3A_189 = arith.addf %add3A_177, %reduce_sum3A_188 : vector<256xf32>
    %get3A_190 = arith.constant 0 : index
    %get3A_191 = arith.constant 5120 : index
    %get3A_192 = vector.load %arg10[%get3A_190, %get3A_191] : memref<512x8192xf32, #tpu.memory_space<vmem>>, vector<512x512xf32>
    %dot_general3A_193 = arith.constant dense<0.000000e+00> : vector<256x512xf32>
    %dot_general3A_194 = tpu.matmul %max3A_68, %get3A_192, %dot_general3A_193 {dimension_numbers = #tpu.dot_dimension_numbers<[1], [0], [0], [1], [0, 0, 1, 1], [], []>, transpose_lhs_hint = false} : vector<256x512xf32>, vector<512x512xf32>, vector<256x512xf32> -> vector<256x512xf32>
    %sub3A_195 = arith.constant 2.000000e+01 : f32
    %sub3A_196 = vector.broadcast %sub3A_195 : f32 to vector<256x512xf32>
    %sub3A_197 = arith.subf %dot_general3A_194, %sub3A_196 : vector<256x512xf32>
    %exp3A_198 = math.exp %sub3A_197 : vector<256x512xf32>
    %reduce_sum3A_199 = arith.constant dense<0.000000e+00> : vector<256xf32>
    %reduce_sum3A_200 = vector.multi_reduction <add>, %exp3A_198, %reduce_sum3A_199 [1] : vector<256x512xf32> to vector<256xf32>
    %add3A_201 = arith.addf %add3A_189, %reduce_sum3A_200 : vector<256xf32>
    %get3A_202 = arith.constant 0 : index
    %get3A_203 = arith.constant 5632 : index
    %get3A_204 = vector.load %arg10[%get3A_202, %get3A_203] : memref<512x8192xf32, #tpu.memory_space<vmem>>, vector<512x512xf32>
    %dot_general3A_205 = arith.constant dense<0.000000e+00> : vector<256x512xf32>
    %dot_general3A_206 = tpu.matmul %max3A_68, %get3A_204, %dot_general3A_205 {dimension_numbers = #tpu.dot_dimension_numbers<[1], [0], [0], [1], [0, 0, 1, 1], [], []>, transpose_lhs_hint = false} : vector<256x512xf32>, vector<512x512xf32>, vector<256x512xf32> -> vector<256x512xf32>
    %sub3A_207 = arith.constant 2.000000e+01 : f32
    %sub3A_208 = vector.broadcast %sub3A_207 : f32 to vector<256x512xf32>
    %sub3A_209 = arith.subf %dot_general3A_206, %sub3A_208 : vector<256x512xf32>
    %exp3A_210 = math.exp %sub3A_209 : vector<256x512xf32>
    %reduce_sum3A_211 = arith.constant dense<0.000000e+00> : vector<256xf32>
    %reduce_sum3A_212 = vector.multi_reduction <add>, %exp3A_210, %reduce_sum3A_211 [1] : vector<256x512xf32> to vector<256xf32>
    %add3A_213 = arith.addf %add3A_201, %reduce_sum3A_212 : vector<256xf32>
    %get3A_214 = arith.constant 0 : index
    %get3A_215 = arith.constant 6144 : index
    %get3A_216 = vector.load %arg10[%get3A_214, %get3A_215] : memref<512x8192xf32, #tpu.memory_space<vmem>>, vector<512x512xf32>
    %dot_general3A_217 = arith.constant dense<0.000000e+00> : vector<256x512xf32>
    %dot_general3A_218 = tpu.matmul %max3A_68, %get3A_216, %dot_general3A_217 {dimension_numbers = #tpu.dot_dimension_numbers<[1], [0], [0], [1], [0, 0, 1, 1], [], []>, transpose_lhs_hint = false} : vector<256x512xf32>, vector<512x512xf32>, vector<256x512xf32> -> vector<256x512xf32>
    %sub3A_219 = arith.constant 2.000000e+01 : f32
    %sub3A_220 = vector.broadcast %sub3A_219 : f32 to vector<256x512xf32>
    %sub3A_221 = arith.subf %dot_general3A_218, %sub3A_220 : vector<256x512xf32>
    %exp3A_222 = math.exp %sub3A_221 : vector<256x512xf32>
    %reduce_sum3A_223 = arith.constant dense<0.000000e+00> : vector<256xf32>
    %reduce_sum3A_224 = vector.multi_reduction <add>, %exp3A_222, %reduce_sum3A_223 [1] : vector<256x512xf32> to vector<256xf32>
    %add3A_225 = arith.addf %add3A_213, %reduce_sum3A_224 : vector<256xf32>
    %get3A_226 = arith.constant 0 : index
    %get3A_227 = arith.constant 6656 : index
    %get3A_228 = vector.load %arg10[%get3A_226, %get3A_227] : memref<512x8192xf32, #tpu.memory_space<vmem>>, vector<512x512xf32>
    %dot_general3A_229 = arith.constant dense<0.000000e+00> : vector<256x512xf32>
    %dot_general3A_230 = tpu.matmul %max3A_68, %get3A_228, %dot_general3A_229 {dimension_numbers = #tpu.dot_dimension_numbers<[1], [0], [0], [1], [0, 0, 1, 1], [], []>, transpose_lhs_hint = false} : vector<256x512xf32>, vector<512x512xf32>, vector<256x512xf32> -> vector<256x512xf32>
    %sub3A_231 = arith.constant 2.000000e+01 : f32
    %sub3A_232 = vector.broadcast %sub3A_231 : f32 to vector<256x512xf32>
    %sub3A_233 = arith.subf %dot_general3A_230, %sub3A_232 : vector<256x512xf32>
    %exp3A_234 = math.exp %sub3A_233 : vector<256x512xf32>
    %reduce_sum3A_235 = arith.constant dense<0.000000e+00> : vector<256xf32>
    %reduce_sum3A_236 = vector.multi_reduction <add>, %exp3A_234, %reduce_sum3A_235 [1] : vector<256x512xf32> to vector<256xf32>
    %add3A_237 = arith.addf %add3A_225, %reduce_sum3A_236 : vector<256xf32>
    %get3A_238 = arith.constant 0 : index
    %get3A_239 = arith.constant 7168 : index
    %get3A_240 = vector.load %arg10[%get3A_238, %get3A_239] : memref<512x8192xf32, #tpu.memory_space<vmem>>, vector<512x512xf32>
    %dot_general3A_241 = arith.constant dense<0.000000e+00> : vector<256x512xf32>
    %dot_general3A_242 = tpu.matmul %max3A_68, %get3A_240, %dot_general3A_241 {dimension_numbers = #tpu.dot_dimension_numbers<[1], [0], [0], [1], [0, 0, 1, 1], [], []>, transpose_lhs_hint = false} : vector<256x512xf32>, vector<512x512xf32>, vector<256x512xf32> -> vector<256x512xf32>
    %sub3A_243 = arith.constant 2.000000e+01 : f32
    %sub3A_244 = vector.broadcast %sub3A_243 : f32 to vector<256x512xf32>
    %sub3A_245 = arith.subf %dot_general3A_242, %sub3A_244 : vector<256x512xf32>
    %exp3A_246 = math.exp %sub3A_245 : vector<256x512xf32>
    %reduce_sum3A_247 = arith.constant dense<0.000000e+00> : vector<256xf32>
    %reduce_sum3A_248 = vector.multi_reduction <add>, %exp3A_246, %reduce_sum3A_247 [1] : vector<256x512xf32> to vector<256xf32>
    %add3A_249 = arith.addf %add3A_237, %reduce_sum3A_248 : vector<256xf32>
    %get3A_250 = arith.constant 0 : index
    %get3A_251 = arith.constant 7680 : index
    %get3A_252 = vector.load %arg10[%get3A_250, %get3A_251] : memref<512x8192xf32, #tpu.memory_space<vmem>>, vector<512x512xf32>
    %dot_general3A_253 = arith.constant dense<0.000000e+00> : vector<256x512xf32>
    %dot_general3A_254 = tpu.matmul %max3A_68, %get3A_252, %dot_general3A_253 {dimension_numbers = #tpu.dot_dimension_numbers<[1], [0], [0], [1], [0, 0, 1, 1], [], []>, transpose_lhs_hint = false} : vector<256x512xf32>, vector<512x512xf32>, vector<256x512xf32> -> vector<256x512xf32>
    %sub3A_255 = arith.constant 2.000000e+01 : f32
    %sub3A_256 = vector.broadcast %sub3A_255 : f32 to vector<256x512xf32>
    %sub3A_257 = arith.subf %dot_general3A_254, %sub3A_256 : vector<256x512xf32>
    %exp3A_258 = math.exp %sub3A_257 : vector<256x512xf32>
    %reduce_sum3A_259 = arith.constant dense<0.000000e+00> : vector<256xf32>
    %reduce_sum3A_260 = vector.multi_reduction <add>, %exp3A_258, %reduce_sum3A_259 [1] : vector<256x512xf32> to vector<256xf32>
    %add3A_261 = arith.addf %add3A_249, %reduce_sum3A_260 : vector<256xf32>
    %log3A = math.log %add3A_261 : vector<256xf32>
    %add3A_262 = arith.constant 2.000000e+01 : f32
    %add3A_263 = vector.broadcast %add3A_262 : f32 to vector<256xf32>
    %add3A_264 = arith.addf %add3A_263, %log3A : vector<256xf32>
    %get3A_265 = arith.constant 0 : index
    %get3A_266 = arith.constant 0 : index
    %get3A_267 = vector.load %arg2[%get3A_265, %get3A_266] : memref<256x512xf32, #tpu.memory_space<vmem>>, vector<256x512xf32>
    %mul3A_268 = arith.mulf %max3A_68, %get3A_267 : vector<256x512xf32>
    %reduce_sum3A_269 = arith.constant dense<0.000000e+00> : vector<256xf32>
    %reduce_sum3A_270 = vector.multi_reduction <add>, %mul3A_268, %reduce_sum3A_269 [1] : vector<256x512xf32> to vector<256xf32>
    %get3A_271 = arith.constant 0 : index
    %get3A_272 = vector.load %arg3[%get3A_271] : memref<256xi32, #tpu.memory_space<vmem>>, vector<256xi32>
    %eq3A = arith.constant 0 : i32
    %eq3A_273 = vector.broadcast %eq3A : i32 to vector<256xi32>
    %eq3A_274 = arith.cmpi eq, %get3A_272, %eq3A_273 : vector<256xi32>
    %sub3A_275 = arith.subf %add3A_264, %reduce_sum3A_270 : vector<256xf32>
    %jit3A = arith.constant 0.000000e+00 : f32
    %broadcast_in_dim3A_276 = vector.broadcast %jit3A : f32 to vector<256xf32>
    %select_n3A = arith.select %eq3A_274, %sub3A_275, %broadcast_in_dim3A_276 : vector<256xi1>, vector<256xf32>
    %get3A_277 = arith.constant 0 : index
    %get3A_278 = vector.load %arg4[%get3A_277] : memref<256xf32, #tpu.memory_space<vmem>>, vector<256xf32>
    %mul3A_279 = arith.constant 2.500000e-01 : f32
    %mul3A_280 = vector.broadcast %mul3A_279 : f32 to vector<256xf32>
    %mul3A_281 = arith.mulf %mul3A_280, %get3A_278 : vector<256xf32>
    %add3A_282 = arith.addf %select_n3A, %mul3A_281 : vector<256xf32>
    %swap3A = arith.constant 0 : index
    %swap3A_283 = vector.load %arg11[%swap3A] : memref<256xf32, #tpu.memory_space<vmem>>, vector<256xf32>
    tpu.vector_store %arg11[%swap3A], %add3A_282 {strides = array<i32>} : memref<256xf32, #tpu.memory_space<vmem>>, vector<256xf32>,
    return
  }
  func.func @transform_0(%arg0: i32) -> (i32, i32) {
    %c0_i32 = arith.constant 0 : i32
    %c0_i32_0 = arith.constant 0 : i32
    return %arg0, %c0_i32 : i32, i32
  }
  func.func @transform_1(%arg0: i32) -> (i32, i32) {
    %c0_i32 = arith.constant 0 : i32
    %c0_i32_0 = arith.constant 0 : i32
    return %arg0, %c0_i32 : i32, i32
  }
  func.func @transform_2(%arg0: i32) -> i32 {
    %c0_i32 = arith.constant 0 : i32
    return %arg0 : i32
  }
  func.func @transform_3(%arg0: i32) -> i32 {
    %c0_i32 = arith.constant 0 : i32
    return %arg0 : i32
  }
  func.func @transform_4(%arg0: i32) -> i32 {
    %c0_i32 = arith.constant 0 : i32
    %c0_i32_0 = arith.constant 0 : i32
    return %c0_i32 : i32
  }
  func.func @transform_5(%arg0: i32) -> i32 {
    %c0_i32 = arith.constant 0 : i32
    %c0_i32_0 = arith.constant 0 : i32
    return %c0_i32 : i32
  }
  func.func @transform_6(%arg0: i32) -> (i32, i32) {
    %c0_i32 = arith.constant 0 : i32
    %c0_i32_0 = arith.constant 0 : i32
    %c0_i32_1 = arith.constant 0 : i32
    return %c0_i32, %c0_i32_0 : i32, i32
  }
  func.func @transform_7(%arg0: i32) -> i32 {
    %c0_i32 = arith.constant 0 : i32
    %c0_i32_0 = arith.constant 0 : i32
    return %c0_i32 : i32
  }
  func.func @transform_8(%arg0: i32) -> i32 {
    %c0_i32 = arith.constant 0 : i32
    %c0_i32_0 = arith.constant 0 : i32
    return %c0_i32 : i32
  }
  func.func @transform_9(%arg0: i32) -> (i32, i32) {
    %c0_i32 = arith.constant 0 : i32
    %c0_i32_0 = arith.constant 0 : i32
    %c0_i32_1 = arith.constant 0 : i32
    return %c0_i32, %c0_i32_0 : i32, i32
  }
  func.func @transform_10(%arg0: i32) -> i32 {
    %c0_i32 = arith.constant 0 : i32
    return %arg0 : i32
  }
}

</mosaic_0001>

<sc_bundles>
// kernel: kernel.6.cloned.1.call-start
scs
__scs_entry_jumppad:
0x0: {  	(pc) =	sbr.rel $0x88, $3  }
0x1: {  	(tag) =	ssettag $0x0;
	lr =	simm.s32 $0x1  }
0x2: {  	[smem:$0x3F97] =	sst lr;
	_ =	strace $0xD0000000  }
0x3: {  	_ = 	snop  }
0x4: {  	_ = 	snop  }
0x5: {  	_ = 	snop  }
0x6: {  	_ = 	snop  }
0x7: {  	_ = 	snop  }
__scs_overlays_trampoline_lowered:
0x8: {  	[smem:$0x3FA6] =	sst s0  }
0x9: {  	[smem:$0x3FA7] =	sst s1  }
0xa: {  	[smem:$0x3FA8] =	sst s2  }
0xb: {  	[smem:$0x3FA9] =	sst s3  }
0xc: {  	[smem:$0x3FAA] =	sst s4  }
0xd: {  	[smem:$0x3FAB] =	sst s5  }
0xe: {  	[smem:$0x3FAC] =	sst s6  }
0xf: {  	[smem:$0x3FAD] =	sst s7  }
0x10: {  	[smem:$0x3FAE] =	sst s8  }
0x11: {  	[smem:$0x3FAF] =	sst s9;
	s0 =	simm.s32 @!p0 $0x0  }
0x12: {  	s1 =	sld [smem:$0x3F95];
	s0 =	simm.s32 @p0 $0x1  }
0x13: {  	[smem:$0x3FB0] =	sst s0;
	s0 =	simm.s32 @!p1 $0x0  }
0x14: {  	s2 =	sld [smem:$0x3F94];
	s0 =	simm.s32 @p1 $0x1  }
0x15: {  	[smem:$0x3FB1] =	sst s0;
	s0 =	simm.s32 @!p2 $0x0  }
0x16: {  	s3 =	sld [smem:$0x3FDB];
	s0 =	simm.s32 @p2 $0x1  }
0x17: {  	s4 =	simm.s32 $0x1BF5;
	[smem:$0x3FB3] =	sst s0  }
0x18: {  	s0 =	sld [smem:$0x3F96];
	_ =	swait.ge [sflag:s4], $0x0  }
0x19: {  	s7 =	sld [smem:$0x3F97]  }
0x1a: {  	s8 =	sadd.s32 $0xFFFFE003, lr  }
0x1b: {  	s9 =	sadd.s32 $0xFFFFFEF7, lr;
	s5 =	simm.s32 $0xFFFFFFFF;
	p2 =	slt.u32 s8, $0xFFFFF086  }
0x1c: {  	p1 =	slt.u32 s9, $0xF7A;
	s5 =	simm.s32 @!p2 $0x0  }
0x1d: {  	s5 =	simm.s32 @p1 $0x1;
	p0 =	seq.s32 s7, s2  }
0x1e: {  	s7 =	smul.u32 @!p0 $0xF7A, s2;
	p2 =	seq.s32 @!p0 s5, $0x0  }
0x1f: {  	s9 =	smul.u32 $0xF7A, s1;
	s8 =	simm.s32 @!p0 $0x1BF5;
	p2 =	por !p2, p0  }
0x20: {  	[sflag:s8] =	ssyncset.s32 @!p0 $0xFFFFF086;
	s6 =	sadd.s32 @!p0 s3, s7;
	s7 =	simm.s32 @!p0 $0x108  }
0x21: {  	s3 =	sadd.s32 s3, s9;
	s6 =	sadd.s32 @!p0 $0x88, s6;
	s7 =	simm.s32 @p2 $0x1082  }
0x22: {  	[simem:s7], [sflag:s8] =	dma.local @!p0 [hbm:s6], $0xF7A  }
0x23: {  	s9 =	sor.u32 $0xD0000000, s2;
	s6 =	simm.s32 $0x108;
	_ =	swait.ge @!p0 [sflag:s8], $0x0  }
0x24: {  	s3 =	sadd.s32 $0x88, s3;
	s6 =	simm.s32 @!p1 $0x1082;
	[sflag:s4] =	ssyncset.s32 $0xFFFFF086  }
0x25: {  	[simem:s6], [sflag:s4] =	dma.local [hbm:s3], $0xF7A  }
0x26: {  	[smem:$0x3F97] =	sst s1;
	(tag) =	ssettag s2;
	_ =	strace s9  }
0x27: {  	s1 =	sld [smem:$0x3FA7]  }
0x28: {  	s2 =	sld [smem:$0x3FA8]  }
0x29: {  	s4 =	sld [smem:$0x3FAA]  }
0x2a: {  	p0 =	seq.s32 s5, $0x0;
	s5 =	sld [smem:$0x3FAB]  }
0x2b: {  	s6 =	sld [smem:$0x3FAC]  }
0x2c: {  	s7 =	sld [smem:$0x3FAD]  }
0x2d: {  	s3 =	simm.s32 $0x108;
	s8 =	sld [smem:$0x3FAE]  }
0x2e: {  	s3 =	simm.s32 @!p0 $0x1082;
	s9 =	sld [smem:$0x3FAF]  }
0x2f: {  	lr =	sadd.s32 s0, s3;
	s0 =	sld [smem:$0x3FA6]  }
0x30: {  	s3 =	sld [smem:$0x3FA9]  }
0x31: {  	[smem:$0x3FB2] =	sst s10  }
0x32: {  	s10 =	sld [smem:$0x3FB0];
	_ =	sdelay $0x3  }
0x33: {  	p0 =	seq.s32 s10, $0x1;
	s10 =	sld [smem:$0x3FB2];
	_ =	sdelay $0x3  }
0x34: {  	[smem:$0x3FB2] =	sst s10  }
0x35: {  	s10 =	sld [smem:$0x3FB1];
	_ =	sdelay $0x3  }
0x36: {  	p1 =	seq.s32 s10, $0x1;
	s10 =	sld [smem:$0x3FB2];
	_ =	sdelay $0x3  }
0x37: {  	[smem:$0x3FB2] =	sst s10  }
0x38: {  	s10 =	sld [smem:$0x3FB3]  }
0x39: {  	_ = 	snop;
	(pc) =	sbr.ind lr, $3  }
0x3a: {  	_ = 	snop  }
0x3b: {  	_ = 	snop  }
0x3c: {  	p2 =	seq.s32 s10, $0x1;
	s10 =	sld [smem:$0x3FB2]  }
0x3d: {  	_ =	shalt  }
0x3e: {  	_ =	shalt  }
0x3f: {  	_ =	shalt  }
0x40: {  	_ =	shalt  }
0x41: {  	_ =	shalt  }
0x42: {  	_ =	shalt  }
0x43: {  	_ =	shalt  }
0x44: {  	_ =	shalt  }
0x45: {  	_ =	shalt  }
0x46: {  	_ =	shalt  }
0x47: {  	_ =	shalt  }
0x48: {  	_ =	shalt  }
0x49: {  	_ =	shalt  }
0x4a: {  	_ =	shalt  }
0x4b: {  	_ =	shalt  }
0x4c: {  	_ =	shalt  }
0x4d: {  	_ =	shalt  }
0x4e: {  	_ =	shalt  }
0x4f: {  	_ =	shalt  }
0x50: {  	_ =	shalt  }
0x51: {  	_ =	shalt  }
0x52: {  	_ =	shalt  }
0x53: {  	_ =	shalt  }
0x54: {  	_ =	shalt  }
0x55: {  	_ =	shalt  }
0x56: {  	_ =	shalt  }
0x57: {  	_ =	shalt  }
0x58: {  	_ =	shalt  }
0x59: {  	_ =	shalt  }
0x5a: {  	_ =	shalt  }
0x5b: {  	_ =	shalt  }
0x5c: {  	_ =	shalt  }
0x5d: {  	_ =	shalt  }
0x5e: {  	_ =	shalt  }
0x5f: {  	_ =	shalt  }
0x60: {  	_ =	shalt  }
0x61: {  	_ =	shalt  }
0x62: {  	_ =	shalt  }
0x63: {  	_ =	shalt  }
0x64: {  	_ =	shalt  }
0x65: {  	_ =	shalt  }
0x66: {  	_ =	shalt  }
0x67: {  	_ =	shalt  }
0x68: {  	_ =	shalt  }
0x69: {  	_ =	shalt  }
0x6a: {  	_ =	shalt  }
0x6b: {  	_ =	shalt  }
0x6c: {  	_ =	shalt  }
0x6d: {  	_ =	shalt  }
0x6e: {  	_ =	shalt  }
0x6f: {  	_ =	shalt  }
0x70: {  	_ =	shalt  }
0x71: {  	_ =	shalt  }
0x72: {  	_ =	shalt  }
0x73: {  	_ =	shalt  }
0x74: {  	_ =	shalt  }
0x75: {  	_ =	shalt  }
0x76: {  	_ =	shalt  }
0x77: {  	_ =	shalt  }
0x78: {  	_ =	shalt  }
0x79: {  	_ =	shalt  }
0x7a: {  	_ =	shalt  }
0x7b: {  	_ =	shalt  }
0x7c: {  	_ =	shalt  }
0x7d: {  	_ =	shalt  }
0x7e: {  	_ =	shalt  }
0x7f: {  	_ =	shalt  }
0x80: {  	_ =	shalt  }
0x81: {  	_ =	shalt  }
0x82: {  	_ =	shalt  }
0x83: {  	_ =	shalt  }
0x84: {  	_ =	shalt  }
0x85: {  	_ =	shalt  }
0x86: {  	_ =	shalt  }
0x87: {  	_ =	shalt  }
.Lfunc_end0:
.L_simem_size_0:
called_computation_lowered:
.L_overlay_start_0:
0x88: {  	s2 =	sld [smem:$0x3FD9]  }
0x89: {  	s3 =	sld [smem:$0x3FFE];
	_ =	sdelay $0x1  }
0x8a: {  	s1 =	srdreg.scid  }
0x8b: {  	s0 =	sand.u32 $0x1, s1  }
0x8c: {  	s14 =	sshll.u32 s0, $0xA;
	s2 =	sadd.s32 s3, s2  }
0x8d: {  	s2 =	sadd.s32 s2, s14  }
0x8e: {  	[smem:$0x3FBE] =	sst s2  }
0x8f: {  	_ = 	snop  }
0x90: {  	s2 =	sld [smem:$0x3FD0];
	_ =	sdelay $0x2  }
0x91: {  	s4 =	simm.s32 $0xB;
	s5 =	simm.s32 $0x10;
	s15 =	sld [smem:$0x3FC0]  }
0x92: {  	[smem:s5], [sflag:s4] =	dma.local [hbm:s2], $0x1  }
0x93: {  	_ =	swait.eq [sflag:s4], $0x1  }
0x94: {  	[sflag:s4] =	ssyncset.done $0x0  }
0x95: {  	[sflag:s4] =	ssyncadd.s32 $0xFFFFFFFF  }
0x96: {  	s16 =	sld [smem:$0x12];
	(tm) =	ssettm $0x1  }
0x97: {  	s17 =	sld [smem:$0x3FFB];
	_ =	sdelay $0x3  }
0x98: {  	_ =	strace s17  }
0x99: {  	s4 =	sld [smem:$0x3FFC];
	_ =	sdelay $0x3  }
0x9a: {  	_ =	strace s4  }
0x9b: {  	s4 =	sld [smem:$0x3FFD];
	_ =	sdelay $0x3  }
0x9c: {  	_ =	strace s4  }
0x9d: {  	_ =	strace $0x8FFFFFFF  }
0x9e: {  	s18 =	sld [smem:$0x3FDB];
	_ =	sdelay $0x1  }
0x9f: {  	s19 =	simm.s32 $_scs_section_size  }
0xa0: {  	s6 =	simm.s32 $_size__tile_overlayer_lowered;
	s7 =	simm.s32 $_tile_overlayer_lowered  }
0xa1: {  	s22 =	simm.s32 $0x1BFF;
	s21 =	sshll.u32 s7, $0x1;
	s4 =	sadd.s32 s19, s18  }
0xa2: {  	s8 =	simm.s32 $0x0;
	s20 =	sshll.u32 s6, $0x1;
	s6 =	sadd.s32 s21, s4  }
0xa3: {  	[timem:s8], [sflag:s22] =	dma.local [hbm:s6], s20  }
0xa4: {  	_ =	swait.ge [sflag:s22], s20  }
0xa5: {  	s5 =	ssub.s32 $0x0, s20;
	[sflag:s22] =	ssyncset.done $0x0  }
0xa6: {  	[sflag:s22] =	ssyncadd.s32 s5;
	_ =	sdelay $0x1  }
0xa7: {  	s23 =	simm.s32 $0x1B8B  }
0xa8: {  	_ =	swait.ge [sflag:s23], $0x1  }
0xa9: {  	[sflag:s23] =	ssyncset.done $0x0  }
0xaa: {  	s25 =	simm.s32 $0x1B8E;
	s24 =	sld [smem:$0x3FFE];
	[sflag:s23] =	ssyncadd.s32 $0xFFFFFFFF  }
0xab: {  	s26 =	simm.s32 $execute0_lowered;
	[smem:$0x3FD2] =	sst s25  }
0xac: {  	s6 =	sshll.u32 s26, $0x1;
	_ =	strace $0x80000046;
	[dreg:$0x1] =	wrdreg $0xFFFFFFFF  }
0xad: {  	s28 =	simm.s32 $_size_execute0_lowered;
	s4 =	sadd.s32 s4, s6;
	[dreg:$0x0] =	wrdreg $0x0  }
0xae: {  	s6 =	sshll.u32 s28, $0x1;
	[dreg:$0x2] =	wrdreg s4  }
0xaf: {  	[dreg:$0x3] =	wrdreg s6  }
0xb0: {  	[dreg:$0x4] =	wrdreg $0xC0  }
0xb1: {  	_ =	task [dreg:s8], $0x5FFFF  }
0xb2: {  	[dreg:$0x1] =	wrdreg $0xFFFFFFFF  }
0xb3: {  	[dreg:$0x0] =	wrdreg $0x60  }
0xb4: {  	[dreg:$0x2] =	wrdreg s15  }
0xb5: {  	[dreg:$0x3] =	wrdreg s16  }
0xb6: {  	[dreg:$0x4] =	wrdreg s24  }
0xb7: {  	[dreg:$0x5] =	wrdreg $0x9  }
0xb8: {  	_ =	task.clear_ibuf [dreg:s8], $0x6FFFF;
	_ =	strace $0x90000046  }
0xb9: {  	s29 =	simm.s32 $0x9;
	_ =	strace $0x80000048  }
0xba: {  	_ =	swait.ge [sflag:s29], $0x1  }
0xbb: {  	[sflag:s29] =	ssyncadd.s32 $0xFFFFFFFF  }
0xbc: {  	_ =	strace $0x90000048  }
0xbd: {  	_ =	sfence  }
0xbe: {  	s30 =	sld [smem:$0x0];
	_ =	sdelay $0x2  }
0xbf: {  	s31 =	sshll.u32 s1, $0xD;
	s1 =	sshrl.u32 s1, $0x2  }
0xc0: {  	s3 =	sand.u32 $0x4000, s31;
	s1 =	sadd.s32 s1, s30  }
0xc1: {  	s0 =	sor.u32 s3, s0;
	s1 =	sshll.u32 s1, $0x11  }
0xc2: {  	s0 =	sor.u32 s1, s0  }
0xc3: {  	s0 =	sadd.s32 $0x8F2B, s0  }
0xc4: {  	[sflag:s0] =	ssyncadd.remote.s32 $0x1  }
0xc5: {  	_ =	sfence.sel $0xFFFF  }
0xc6: {  	[dreg:$0x0] =	wrdreg $0xFFFFFFFF;
	(pc) =	sbr.abs _section_cstart, $3  }
0xc7: {  	[dreg:$0x1] =	wrdreg $0xFFFFFFFF  }
0xc8: {  	_ =	task.clear_ibuf [dreg:s8], $0x2FFFF;
	_ =	strace $0x9FFFFFFF  }
0xc9: {  	(tm) =	ssettm $0x7FFFFFFF  }
tec
execute0_lowered:
.L_overlay_start_1:
0x0: {  	(tag) =	ssettag $0x1  }
0x1: {  	s1 =	rddreg [dreg:$0x0]  }
0x2: {  	s0 =	rddreg [dreg:$0x1]  }
0x3: {  	s2 =	rddreg [dreg:$0x2];
	s3 =	simm.s32 $0x0;
	s4 =	srdreg.scid  }
0x4: {  	s6 =	stileid.u32;
	s14 =	simm.s32 $0x1;
	s16 =	simm.s32 $0x880  }
0x5: {  	s17 =	simm.s32 $0x1080;
	s18 =	simm.s32 $0x1880;
	s19 =	simm.s32 $0x2080  }
0x6: {  	s20 =	simm.s32 $0x2880;
	s21 =	simm.s32 $0x3080;
	s28 =	simm.s32 $0x6080  }
0x7: {  	s29 =	simm.s32 $0x6880;
	s30 =	simm.s32 $0x7080;
	s31 =	simm.s32 $0x7880  }
0x8: {  	s8 =	simm.s32 $0x9080;
	s9 =	simm.s32 $0x9880;
	s10 =	simm.s32 $0xA080  }
0x9: {  	s11 =	simm.s32 $0xA880;
	s12 =	simm.s32 $0xB080;
	s13 =	simm.s32 $0xB880  }
0xa: {  	[smem:$0x7FF] =	sst s3;
	s4 =	sand.u32 $0x1, s4;
	s6 =	sshll.u32 s6, $0x9  }
0xb: {  	s2 =	sadd.s32 $0x2600, s2;
	s5 =	ssub.s32 $0x2, s4;
	s4 =	sshll.u32 s4, $0x8  }
0xc: {  	_ =	strace $0x80000047;
	s7 =	sshrl.u32 s5, $0x1;
	s4 =	sor.u32 s4, s6  }
0xd: {  	s5 =	ssub.s32 s5, s7;
	s6 =	sshrl.u32 s4, $0x3;
	s22 =	sshll.u32 s4, $0x6  }
0xe: {  	s4 =	sor.u32 $0x80, s4;
	s7 =	simm.s32 $0xC080;
	s6 =	sadd.s32 s0, s6  }
0xf: {  	s23 =	sadd.s32 s2, s22;
	s24 =	sshrl.u32 s4, $0x3;
	s25 =	sshll.u32 s4, $0x6  }
0x10: {  	s4 =	sadd.s32 $0x100, s1;
	s5 =	smax.u32 s5, $0x1;
	[dreg:$0x4] =	wrdreg s6  }
0x11: {  	s22 =	simm.s32 $0x3880;
	[dreg:$0x5] =	wrdreg s23;
	s0 =	sadd.s32 s0, s24  }
0x12: {  	v2 =	vlaneseq.u32;
	s26 =	sadd.s32 s2, s25;
	s6 =	simm.s32 $0x2;
	s23 =	simm.s32 $0x4080  }
0x13: {  	vm0 =	vmmov $0xffff;
	v1 =	vshrl.u32 v2, $0x3;
	s24 =	simm.s32 $0x4880;
	s25 =	simm.s32 $0x5080;
	[dreg:$0x6] =	wrdreg s0  }
0x14: {  	v0 =	vand.u32 $0x7, v2;
	v2 =	vor.u32 $0x8, v2;
	v1 =	vmul.u32 $0x8, v1;
	s2 =	simm.s32 $0x8880;
	[dreg:$0x7] =	wrdreg s26;
	s26 =	simm.s32 $0x5880  }
.LBB2_1:
0x15: {  	s15 =	rddreg [dreg:$0x4]  }
0x16: {  	[tilespmem:s3], [sflag:$0x2] =	stream.linear.gather [hbm4b:s15+s3], $0x80, $0x38;
	[tilespmem:$0x10080] =	vst v63  }
0x17: {  	_ =	swait.ge [sflag:s6], $0x80  }
0x18: {  	[sflag:s6] =	ssyncset.done $0x0  }
0x19: {  	[sflag:s6] =	ssyncadd.s32 $0xFFFFFF80  }
0x1a: {  	v3 =	vld [tilespmem:$0x0];
	_ =	sdelay $0x4  }
0x1b: {  	v4 =	vshll.u32 v3, $0x2  }
0x1c: {  	v3 =	vand.u32 $0x7, v3;
	v4 =	vand.u32 $0xFFFFFFE0, v4  }
0x1d: {  	v3 =	vor.u32 v3, v4  }
0x1e: {  	v4 =	vperm.xlane v3, v0;
	_ =	sdelay $0x1  }
0x1f: {  	v4 =	vadd.s32 v1, v4;
	_ =	sdelay $0x1  }
0x20: {  	v3 =	vperm.xlane v3, v2;
	_ =	sdelay $0x1  }
0x21: {  	s0 =	simm.s32 $0x80;
	v3 =	vadd.s32 v1, v3  }
0x22: {  	[tilespmem:s0], [sflag:$0x1] =	stream.indirect_vreg.gather [hbm4b:s1+s3], $0x80, v4, vm0, $0xb8;
	[tilespmem:$0x10080] =	vst v63  }
0x23: {  	_ = 	snop  }
0x24: {  	[tilespmem:s16], [sflag:$0x1] =	stream.indirect_vreg.gather [hbm4b:s4+s3], $0x80, v4, vm0, $0xb8;
	[tilespmem:$0x10080] =	vst v63  }
0x25: {  	_ = 	snop  }
0x26: {  	[tilespmem:s17], [sflag:$0x1] =	stream.indirect_vreg.gather [hbm4b:s1+s3], $0x80, v3, vm0, $0xb8;
	[tilespmem:$0x10080] =	vst v63  }
0x27: {  	_ = 	snop  }
0x28: {  	[tilespmem:s18], [sflag:$0x1] =	stream.indirect_vreg.gather [hbm4b:s4+s3], $0x80, v3, vm0, $0xb8;
	[tilespmem:$0x10080] =	vst v63  }
0x29: {  	v3 =	vld [tilespmem:$0x10];
	_ =	sdelay $0x4  }
0x2a: {  	v49 =	vshll.u32 v3, $0x2  }
0x2b: {  	v3 =	vand.u32 $0x7, v3;
	v4 =	vand.u32 $0xFFFFFFE0, v49  }
0x2c: {  	v3 =	vor.u32 v3, v4  }
0x2d: {  	v4 =	vperm.xlane v3, v0;
	_ =	sdelay $0x1  }
0x2e: {  	v4 =	vadd.s32 v1, v4;
	_ =	sdelay $0x1  }
0x2f: {  	v3 =	vperm.xlane v3, v2;
	_ =	sdelay $0x1  }
0x30: {  	v3 =	vadd.s32 v1, v3  }
0x31: {  	[tilespmem:s19], [sflag:$0x1] =	stream.indirect_vreg.gather [hbm4b:s1+s3], $0x80, v4, vm0, $0xb8;
	[tilespmem:$0x10080] =	vst v63  }
0x32: {  	_ = 	snop  }
0x33: {  	[tilespmem:s20], [sflag:$0x1] =	stream.indirect_vreg.gather [hbm4b:s4+s3], $0x80, v4, vm0, $0xb8;
	[tilespmem:$0x10080] =	vst v63  }
0x34: {  	_ = 	snop  }
0x35: {  	[tilespmem:s21], [sflag:$0x1] =	stream.indirect_vreg.gather [hbm4b:s1+s3], $0x80, v3, vm0, $0xb8;
	[tilespmem:$0x10080] =	vst v63  }
0x36: {  	_ = 	snop  }
0x37: {  	[tilespmem:s22], [sflag:$0x1] =	stream.indirect_vreg.gather [hbm4b:s4+s3], $0x80, v3, vm0, $0xb8;
	[tilespmem:$0x10080] =	vst v63  }
0x38: {  	v3 =	vld [tilespmem:$0x20];
	_ =	sdelay $0x4  }
0x39: {  	v50 =	vshll.u32 v3, $0x2  }
0x3a: {  	v3 =	vand.u32 $0x7, v3;
	v4 =	vand.u32 $0xFFFFFFE0, v50  }
0x3b: {  	v3 =	vor.u32 v3, v4  }
0x3c: {  	v4 =	vperm.xlane v3, v0;
	_ =	sdelay $0x1  }
0x3d: {  	v4 =	vadd.s32 v1, v4;
	_ =	sdelay $0x1  }
0x3e: {  	v3 =	vperm.xlane v3, v2;
	_ =	sdelay $0x1  }
0x3f: {  	v3 =	vadd.s32 v1, v3  }
0x40: {  	[tilespmem:s23], [sflag:$0x1] =	stream.indirect_vreg.gather [hbm4b:s1+s3], $0x80, v4, vm0, $0xb8;
	[tilespmem:$0x10080] =	vst v63  }
0x41: {  	_ = 	snop  }
0x42: {  	[tilespmem:s24], [sflag:$0x1] =	stream.indirect_vreg.gather [hbm4b:s4+s3], $0x80, v4, vm0, $0xb8;
	[tilespmem:$0x10080] =	vst v63  }
0x43: {  	_ = 	snop  }
0x44: {  	[tilespmem:s25], [sflag:$0x1] =	stream.indirect_vreg.gather [hbm4b:s1+s3], $0x80, v3, vm0, $0xb8;
	[tilespmem:$0x10080] =	vst v63  }
0x45: {  	_ = 	snop  }
0x46: {  	[tilespmem:s26], [sflag:$0x1] =	stream.indirect_vreg.gather [hbm4b:s4+s3], $0x80, v3, vm0, $0xb8;
	[tilespmem:$0x10080] =	vst v63  }
0x47: {  	v3 =	vld [tilespmem:$0x30];
	_ =	sdelay $0x4  }
0x48: {  	v51 =	vshll.u32 v3, $0x2  }
0x49: {  	v3 =	vand.u32 $0x7, v3;
	v4 =	vand.u32 $0xFFFFFFE0, v51  }
0x4a: {  	v3 =	vor.u32 v3, v4  }
0x4b: {  	v4 =	vperm.xlane v3, v0;
	_ =	sdelay $0x1  }
0x4c: {  	v4 =	vadd.s32 v1, v4;
	_ =	sdelay $0x1  }
0x4d: {  	v3 =	vperm.xlane v3, v2;
	_ =	sdelay $0x1  }
0x4e: {  	v3 =	vadd.s32 v1, v3  }
0x4f: {  	[tilespmem:s28], [sflag:$0x1] =	stream.indirect_vreg.gather [hbm4b:s1+s3], $0x80, v4, vm0, $0xb8;
	[tilespmem:$0x10080] =	vst v63  }
0x50: {  	_ = 	snop  }
0x51: {  	[tilespmem:s29], [sflag:$0x1] =	stream.indirect_vreg.gather [hbm4b:s4+s3], $0x80, v4, vm0, $0xb8;
	[tilespmem:$0x10080] =	vst v63  }
0x52: {  	_ = 	snop  }
0x53: {  	[tilespmem:s30], [sflag:$0x1] =	stream.indirect_vreg.gather [hbm4b:s1+s3], $0x80, v3, vm0, $0xb8;
	[tilespmem:$0x10080] =	vst v63  }
0x54: {  	_ = 	snop  }
0x55: {  	[tilespmem:s31], [sflag:$0x1] =	stream.indirect_vreg.gather [hbm4b:s4+s3], $0x80, v3, vm0, $0xb8;
	[tilespmem:$0x10080] =	vst v63  }
0x56: {  	v3 =	vld [tilespmem:$0x40];
	_ =	sdelay $0x4  }
0x57: {  	v52 =	vshll.u32 v3, $0x2  }
0x58: {  	v3 =	vand.u32 $0x7, v3;
	v4 =	vand.u32 $0xFFFFFFE0, v52  }
0x59: {  	v3 =	vor.u32 v3, v4  }
0x5a: {  	v4 =	vperm.xlane v3, v0;
	_ =	sdelay $0x1  }
0x5b: {  	v4 =	vadd.s32 v1, v4;
	_ =	sdelay $0x1  }
0x5c: {  	v3 =	vperm.xlane v3, v2;
	_ =	sdelay $0x1  }
0x5d: {  	s15 =	simm.s32 $0x8080;
	v3 =	vadd.s32 v1, v3  }
0x5e: {  	[tilespmem:s15], [sflag:$0x1] =	stream.indirect_vreg.gather [hbm4b:s1+s3], $0x80, v4, vm0, $0xb8;
	[tilespmem:$0x10080] =	vst v63  }
0x5f: {  	_ = 	snop  }
0x60: {  	[tilespmem:s2], [sflag:$0x1] =	stream.indirect_vreg.gather [hbm4b:s4+s3], $0x80, v4, vm0, $0xb8;
	[tilespmem:$0x10080] =	vst v63  }
0x61: {  	_ = 	snop  }
0x62: {  	[tilespmem:s8], [sflag:$0x1] =	stream.indirect_vreg.gather [hbm4b:s1+s3], $0x80, v3, vm0, $0xb8;
	[tilespmem:$0x10080] =	vst v63  }
0x63: {  	_ = 	snop  }
0x64: {  	[tilespmem:s9], [sflag:$0x1] =	stream.indirect_vreg.gather [hbm4b:s4+s3], $0x80, v3, vm0, $0xb8;
	[tilespmem:$0x10080] =	vst v63  }
0x65: {  	v3 =	vld [tilespmem:$0x50];
	_ =	sdelay $0x4  }
0x66: {  	v53 =	vshll.u32 v3, $0x2  }
0x67: {  	v3 =	vand.u32 $0x7, v3;
	v4 =	vand.u32 $0xFFFFFFE0, v53  }
0x68: {  	v3 =	vor.u32 v3, v4  }
0x69: {  	v4 =	vperm.xlane v3, v0;
	_ =	sdelay $0x1  }
0x6a: {  	v4 =	vadd.s32 v1, v4;
	_ =	sdelay $0x1  }
0x6b: {  	v3 =	vperm.xlane v3, v2;
	_ =	sdelay $0x1  }
0x6c: {  	v3 =	vadd.s32 v1, v3  }
0x6d: {  	[tilespmem:s10], [sflag:$0x1] =	stream.indirect_vreg.gather [hbm4b:s1+s3], $0x80, v4, vm0, $0xb8;
	[tilespmem:$0x10080] =	vst v63  }
0x6e: {  	_ = 	snop  }
0x6f: {  	[tilespmem:s11], [sflag:$0x1] =	stream.indirect_vreg.gather [hbm4b:s4+s3], $0x80, v4, vm0, $0xb8;
	[tilespmem:$0x10080] =	vst v63  }
0x70: {  	_ = 	snop  }
0x71: {  	[tilespmem:s12], [sflag:$0x1] =	stream.indirect_vreg.gather [hbm4b:s1+s3], $0x80, v3, vm0, $0xb8;
	[tilespmem:$0x10080] =	vst v63  }
0x72: {  	_ = 	snop  }
0x73: {  	[tilespmem:s13], [sflag:$0x1] =	stream.indirect_vreg.gather [hbm4b:s4+s3], $0x80, v3, vm0, $0xb8;
	[tilespmem:$0x10080] =	vst v63  }
0x74: {  	v3 =	vld [tilespmem:$0x60];
	_ =	sdelay $0x4  }
0x75: {  	v54 =	vshll.u32 v3, $0x2  }
0x76: {  	v3 =	vand.u32 $0x7, v3;
	v4 =	vand.u32 $0xFFFFFFE0, v54  }
0x77: {  	v3 =	vor.u32 v3, v4  }
0x78: {  	v4 =	vperm.xlane v3, v0;
	_ =	sdelay $0x1  }
0x79: {  	v4 =	vadd.s32 v1, v4;
	_ =	sdelay $0x1  }
0x7a: {  	v3 =	vperm.xlane v3, v2;
	_ =	sdelay $0x1  }
0x7b: {  	v3 =	vadd.s32 v1, v3  }
0x7c: {  	[tilespmem:s7], [sflag:$0x1] =	stream.indirect_vreg.gather [hbm4b:s1+s3], $0x80, v4, vm0, $0xb8;
	[tilespmem:$0x10080] =	vst v63  }
0x7d: {  	s15 =	simm.s32 $0xC880  }
0x7e: {  	[tilespmem:s15], [sflag:$0x1] =	stream.indirect_vreg.gather [hbm4b:s4+s3], $0x80, v4, vm0, $0xb8;
	[tilespmem:$0x10080] =	vst v63  }
0x7f: {  	s15 =	simm.s32 $0xD080  }
0x80: {  	[tilespmem:s15], [sflag:$0x1] =	stream.indirect_vreg.gather [hbm4b:s1+s3], $0x80, v3, vm0, $0xb8;
	[tilespmem:$0x10080] =	vst v63  }
0x81: {  	s15 =	simm.s32 $0xD880  }
0x82: {  	[tilespmem:s15], [sflag:$0x1] =	stream.indirect_vreg.gather [hbm4b:s4+s3], $0x80, v3, vm0, $0xb8;
	[tilespmem:$0x10080] =	vst v63  }
0x83: {  	v3 =	vld [tilespmem:$0x70];
	_ =	sdelay $0x4  }
0x84: {  	v55 =	vshll.u32 v3, $0x2  }
0x85: {  	v3 =	vand.u32 $0x7, v3;
	v4 =	vand.u32 $0xFFFFFFE0, v55  }
0x86: {  	v3 =	vor.u32 v3, v4  }
0x87: {  	v4 =	vperm.xlane v3, v0;
	_ =	sdelay $0x1  }
0x88: {  	v4 =	vadd.s32 v1, v4;
	_ =	sdelay $0x1  }
0x89: {  	v3 =	vperm.xlane v3, v2;
	_ =	sdelay $0x1  }
0x8a: {  	s15 =	simm.s32 $0xE080;
	v3 =	vadd.s32 v1, v3  }
0x8b: {  	[tilespmem:s15], [sflag:$0x1] =	stream.indirect_vreg.gather [hbm4b:s1+s3], $0x80, v4, vm0, $0xb8;
	[tilespmem:$0x10080] =	vst v63  }
0x8c: {  	s15 =	simm.s32 $0xE880  }
0x8d: {  	[tilespmem:s15], [sflag:$0x1] =	stream.indirect_vreg.gather [hbm4b:s4+s3], $0x80, v4, vm0, $0xb8;
	[tilespmem:$0x10080] =	vst v63  }
0x8e: {  	s15 =	simm.s32 $0xF080  }
0x8f: {  	[tilespmem:s15], [sflag:$0x1] =	stream.indirect_vreg.gather [hbm4b:s1+s3], $0x80, v3, vm0, $0xb8;
	[tilespmem:$0x10080] =	vst v63  }
0x90: {  	s15 =	simm.s32 $0xF880  }
0x91: {  	[tilespmem:s15], [sflag:$0x1] =	stream.indirect_vreg.gather [hbm4b:s4+s3], $0x80, v3, vm0, $0xb8;
	[tilespmem:$0x10080] =	vst v63  }
0x92: {  	_ =	swait.ge [sflag:s14], $0x10000  }
0x93: {  	[sflag:s14] =	ssyncset.done $0x0  }
0x94: {  	s0 =	simm.s32 $0x80;
	s15 =	rddreg [dreg:$0x5];
	[sflag:s14] =	ssyncadd.s32 $0xFFFF0000  }
0x95: {  	[hbm4b:s15+s3] =	stream.linear.scatter [tilespmem:s0], [sflag:$0x2], $0x10000, $0x38;
	[tilespmem:$0x10080] =	vst v63  }
0x96: {  	_ =	swait.ge [sflag:s6], $0x10000  }
0x97: {  	[sflag:s6] =	ssyncset.done $0x0  }
0x98: {  	s15 =	rddreg [dreg:$0x6];
	[sflag:s6] =	ssyncadd.s32 $0xFFFF0000  }
0x99: {  	[tilespmem:s3], [sflag:$0x2] =	stream.linear.gather [hbm4b:s15+s3], $0x80, $0x38;
	[tilespmem:$0x10080] =	vst v63  }
0x9a: {  	_ =	swait.ge [sflag:s6], $0x80  }
0x9b: {  	[sflag:s6] =	ssyncset.done $0x0  }
0x9c: {  	[sflag:s6] =	ssyncadd.s32 $0xFFFFFF80  }
0x9d: {  	v3 =	vld [tilespmem:$0x0];
	_ =	sdelay $0x4  }
0x9e: {  	v56 =	vshll.u32 v3, $0x2  }
0x9f: {  	v3 =	vand.u32 $0x7, v3;
	v4 =	vand.u32 $0xFFFFFFE0, v56  }
0xa0: {  	v3 =	vor.u32 v3, v4  }
0xa1: {  	v4 =	vperm.xlane v3, v0;
	_ =	sdelay $0x1  }
0xa2: {  	v4 =	vadd.s32 v1, v4;
	_ =	sdelay $0x1  }
0xa3: {  	v3 =	vperm.xlane v3, v2;
	_ =	sdelay $0x1  }
0xa4: {  	v3 =	vadd.s32 v1, v3  }
0xa5: {  	[tilespmem:s0], [sflag:$0x1] =	stream.indirect_vreg.gather [hbm4b:s1+s3], $0x80, v4, vm0, $0xb8;
	[tilespmem:$0x10080] =	vst v63  }
0xa6: {  	_ = 	snop  }
0xa7: {  	[tilespmem:s16], [sflag:$0x1] =	stream.indirect_vreg.gather [hbm4b:s4+s3], $0x80, v4, vm0, $0xb8;
	[tilespmem:$0x10080] =	vst v63  }
0xa8: {  	_ = 	snop  }
0xa9: {  	[tilespmem:s17], [sflag:$0x1] =	stream.indirect_vreg.gather [hbm4b:s1+s3], $0x80, v3, vm0, $0xb8;
	[tilespmem:$0x10080] =	vst v63  }
0xaa: {  	_ = 	snop  }
0xab: {  	[tilespmem:s18], [sflag:$0x1] =	stream.indirect_vreg.gather [hbm4b:s4+s3], $0x80, v3, vm0, $0xb8;
	[tilespmem:$0x10080] =	vst v63  }
0xac: {  	v3 =	vld [tilespmem:$0x10];
	_ =	sdelay $0x4  }
0xad: {  	v57 =	vshll.u32 v3, $0x2  }
0xae: {  	v3 =	vand.u32 $0x7, v3;
	v4 =	vand.u32 $0xFFFFFFE0, v57  }
0xaf: {  	v3 =	vor.u32 v3, v4  }
0xb0: {  	v4 =	vperm.xlane v3, v0;
	_ =	sdelay $0x1  }
0xb1: {  	v4 =	vadd.s32 v1, v4;
	_ =	sdelay $0x1  }
0xb2: {  	v3 =	vperm.xlane v3, v2;
	_ =	sdelay $0x1  }
0xb3: {  	v3 =	vadd.s32 v1, v3  }
0xb4: {  	[tilespmem:s19], [sflag:$0x1] =	stream.indirect_vreg.gather [hbm4b:s1+s3], $0x80, v4, vm0, $0xb8;
	[tilespmem:$0x10080] =	vst v63  }
0xb5: {  	_ = 	snop  }
0xb6: {  	[tilespmem:s20], [sflag:$0x1] =	stream.indirect_vreg.gather [hbm4b:s4+s3], $0x80, v4, vm0, $0xb8;
	[tilespmem:$0x10080] =	vst v63  }
0xb7: {  	_ = 	snop  }
0xb8: {  	[tilespmem:s21], [sflag:$0x1] =	stream.indirect_vreg.gather [hbm4b:s1+s3], $0x80, v3, vm0, $0xb8;
	[tilespmem:$0x10080] =	vst v63  }
0xb9: {  	_ = 	snop  }
0xba: {  	[tilespmem:s22], [sflag:$0x1] =	stream.indirect_vreg.gather [hbm4b:s4+s3], $0x80, v3, vm0, $0xb8;
	[tilespmem:$0x10080] =	vst v63  }
0xbb: {  	v3 =	vld [tilespmem:$0x20];
	_ =	sdelay $0x4  }
0xbc: {  	v58 =	vshll.u32 v3, $0x2  }
0xbd: {  	v3 =	vand.u32 $0x7, v3;
	v4 =	vand.u32 $0xFFFFFFE0, v58  }
0xbe: {  	v3 =	vor.u32 v3, v4  }
0xbf: {  	v4 =	vperm.xlane v3, v0;
	_ =	sdelay $0x1  }
0xc0: {  	v4 =	vadd.s32 v1, v4;
	_ =	sdelay $0x1  }
0xc1: {  	v3 =	vperm.xlane v3, v2;
	_ =	sdelay $0x1  }
0xc2: {  	v3 =	vadd.s32 v1, v3  }
0xc3: {  	[tilespmem:s23], [sflag:$0x1] =	stream.indirect_vreg.gather [hbm4b:s1+s3], $0x80, v4, vm0, $0xb8;
	[tilespmem:$0x10080] =	vst v63  }
0xc4: {  	_ = 	snop  }
0xc5: {  	[tilespmem:s24], [sflag:$0x1] =	stream.indirect_vreg.gather [hbm4b:s4+s3], $0x80, v4, vm0, $0xb8;
	[tilespmem:$0x10080] =	vst v63  }
0xc6: {  	_ = 	snop  }
0xc7: {  	[tilespmem:s25], [sflag:$0x1] =	stream.indirect_vreg.gather [hbm4b:s1+s3], $0x80, v3, vm0, $0xb8;
	[tilespmem:$0x10080] =	vst v63  }
0xc8: {  	_ = 	snop  }
0xc9: {  	[tilespmem:s26], [sflag:$0x1] =	stream.indirect_vreg.gather [hbm4b:s4+s3], $0x80, v3, vm0, $0xb8;
	[tilespmem:$0x10080] =	vst v63  }
0xca: {  	v3 =	vld [tilespmem:$0x30];
	_ =	sdelay $0x4  }
0xcb: {  	v59 =	vshll.u32 v3, $0x2  }
0xcc: {  	v3 =	vand.u32 $0x7, v3;
	v4 =	vand.u32 $0xFFFFFFE0, v59  }
0xcd: {  	v3 =	vor.u32 v3, v4  }
0xce: {  	v4 =	vperm.xlane v3, v0;
	_ =	sdelay $0x1  }
0xcf: {  	v4 =	vadd.s32 v1, v4;
	_ =	sdelay $0x1  }
0xd0: {  	v3 =	vperm.xlane v3, v2;
	_ =	sdelay $0x1  }
0xd1: {  	v3 =	vadd.s32 v1, v3  }
0xd2: {  	[tilespmem:s28], [sflag:$0x1] =	stream.indirect_vreg.gather [hbm4b:s1+s3], $0x80, v4, vm0, $0xb8;
	[tilespmem:$0x10080] =	vst v63  }
0xd3: {  	_ = 	snop  }
0xd4: {  	[tilespmem:s29], [sflag:$0x1] =	stream.indirect_vreg.gather [hbm4b:s4+s3], $0x80, v4, vm0, $0xb8;
	[tilespmem:$0x10080] =	vst v63  }
0xd5: {  	_ = 	snop  }
0xd6: {  	[tilespmem:s30], [sflag:$0x1] =	stream.indirect_vreg.gather [hbm4b:s1+s3], $0x80, v3, vm0, $0xb8;
	[tilespmem:$0x10080] =	vst v63  }
0xd7: {  	_ = 	snop  }
0xd8: {  	[tilespmem:s31], [sflag:$0x1] =	stream.indirect_vreg.gather [hbm4b:s4+s3], $0x80, v3, vm0, $0xb8;
	[tilespmem:$0x10080] =	vst v63  }
0xd9: {  	v3 =	vld [tilespmem:$0x40];
	_ =	sdelay $0x4  }
0xda: {  	v60 =	vshll.u32 v3, $0x2  }
0xdb: {  	v3 =	vand.u32 $0x7, v3;
	v4 =	vand.u32 $0xFFFFFFE0, v60  }
0xdc: {  	v3 =	vor.u32 v3, v4  }
0xdd: {  	v4 =	vperm.xlane v3, v0;
	_ =	sdelay $0x1  }
0xde: {  	v4 =	vadd.s32 v1, v4;
	_ =	sdelay $0x1  }
0xdf: {  	v3 =	vperm.xlane v3, v2;
	_ =	sdelay $0x1  }
0xe0: {  	s15 =	simm.s32 $0x8080;
	v3 =	vadd.s32 v1, v3  }
0xe1: {  	[tilespmem:s15], [sflag:$0x1] =	stream.indirect_vreg.gather [hbm4b:s1+s3], $0x80, v4, vm0, $0xb8;
	[tilespmem:$0x10080] =	vst v63  }
0xe2: {  	_ = 	snop  }
0xe3: {  	[tilespmem:s2], [sflag:$0x1] =	stream.indirect_vreg.gather [hbm4b:s4+s3], $0x80, v4, vm0, $0xb8;
	[tilespmem:$0x10080] =	vst v63  }
0xe4: {  	_ = 	snop  }
0xe5: {  	[tilespmem:s8], [sflag:$0x1] =	stream.indirect_vreg.gather [hbm4b:s1+s3], $0x80, v3, vm0, $0xb8;
	[tilespmem:$0x10080] =	vst v63  }
0xe6: {  	_ = 	snop  }
0xe7: {  	[tilespmem:s9], [sflag:$0x1] =	stream.indirect_vreg.gather [hbm4b:s4+s3], $0x80, v3, vm0, $0xb8;
	[tilespmem:$0x10080] =	vst v63  }
0xe8: {  	v3 =	vld [tilespmem:$0x50];
	_ =	sdelay $0x4  }
0xe9: {  	v61 =	vshll.u32 v3, $0x2  }
0xea: {  	v3 =	vand.u32 $0x7, v3;
	v4 =	vand.u32 $0xFFFFFFE0, v61  }
0xeb: {  	v3 =	vor.u32 v3, v4  }
0xec: {  	v4 =	vperm.xlane v3, v0;
	_ =	sdelay $0x1  }
0xed: {  	v4 =	vadd.s32 v1, v4;
	_ =	sdelay $0x1  }
0xee: {  	v3 =	vperm.xlane v3, v2;
	_ =	sdelay $0x1  }
0xef: {  	v3 =	vadd.s32 v1, v3  }
0xf0: {  	[tilespmem:s10], [sflag:$0x1] =	stream.indirect_vreg.gather [hbm4b:s1+s3], $0x80, v4, vm0, $0xb8;
	[tilespmem:$0x10080] =	vst v63  }
0xf1: {  	_ = 	snop  }
0xf2: {  	[tilespmem:s11], [sflag:$0x1] =	stream.indirect_vreg.gather [hbm4b:s4+s3], $0x80, v4, vm0, $0xb8;
	[tilespmem:$0x10080] =	vst v63  }
0xf3: {  	_ = 	snop  }
0xf4: {  	[tilespmem:s12], [sflag:$0x1] =	stream.indirect_vreg.gather [hbm4b:s1+s3], $0x80, v3, vm0, $0xb8;
	[tilespmem:$0x10080] =	vst v63  }
0xf5: {  	_ = 	snop  }
0xf6: {  	[tilespmem:s13], [sflag:$0x1] =	stream.indirect_vreg.gather [hbm4b:s4+s3], $0x80, v3, vm0, $0xb8;
	[tilespmem:$0x10080] =	vst v63  }
0xf7: {  	v3 =	vld [tilespmem:$0x60];
	_ =	sdelay $0x4  }
0xf8: {  	v62 =	vshll.u32 v3, $0x2  }
0xf9: {  	v3 =	vand.u32 $0x7, v3;
	v4 =	vand.u32 $0xFFFFFFE0, v62  }
0xfa: {  	v3 =	vor.u32 v3, v4  }
0xfb: {  	v4 =	vperm.xlane v3, v0;
	_ =	sdelay $0x1  }
0xfc: {  	v4 =	vadd.s32 v1, v4;
	_ =	sdelay $0x1  }
0xfd: {  	v3 =	vperm.xlane v3, v2;
	_ =	sdelay $0x1  }
0xfe: {  	v3 =	vadd.s32 v1, v3  }
0xff: {  	[tilespmem:s7], [sflag:$0x1] =	stream.indirect_vreg.gather [hbm4b:s1+s3], $0x80, v4, vm0, $0xb8;
	[tilespmem:$0x10080] =	vst v63  }
0x100: {  	s15 =	simm.s32 $0xC880  }
0x101: {  	[tilespmem:s15], [sflag:$0x1] =	stream.indirect_vreg.gather [hbm4b:s4+s3], $0x80, v4, vm0, $0xb8;
	[tilespmem:$0x10080] =	vst v63  }
0x102: {  	s15 =	simm.s32 $0xD080  }
0x103: {  	[tilespmem:s15], [sflag:$0x1] =	stream.indirect_vreg.gather [hbm4b:s1+s3], $0x80, v3, vm0, $0xb8;
	[tilespmem:$0x10080] =	vst v63  }
0x104: {  	s15 =	simm.s32 $0xD880  }
0x105: {  	[tilespmem:s15], [sflag:$0x1] =	stream.indirect_vreg.gather [hbm4b:s4+s3], $0x80, v3, vm0, $0xb8;
	[tilespmem:$0x10080] =	vst v63  }
0x106: {  	v3 =	vld [tilespmem:$0x70];
	_ =	sdelay $0x4  }
0x107: {  	v63 =	vshll.u32 v3, $0x2  }
0x108: {  	v3 =	vand.u32 $0x7, v3;
	v4 =	vand.u32 $0xFFFFFFE0, v63  }
0x109: {  	v3 =	vor.u32 v3, v4  }
0x10a: {  	v4 =	vperm.xlane v3, v0;
	_ =	sdelay $0x1  }
0x10b: {  	v4 =	vadd.s32 v1, v4;
	_ =	sdelay $0x1  }
0x10c: {  	v3 =	vperm.xlane v3, v2;
	_ =	sdelay $0x1  }
0x10d: {  	s15 =	simm.s32 $0xE080;
	v3 =	vadd.s32 v1, v3  }
0x10e: {  	[tilespmem:s15], [sflag:$0x1] =	stream.indirect_vreg.gather [hbm4b:s1+s3], $0x80, v4, vm0, $0xb8;
	[tilespmem:$0x10080] =	vst v63  }
0x10f: {  	s15 =	simm.s32 $0xE880  }
0x110: {  	[tilespmem:s15], [sflag:$0x1] =	stream.indirect_vreg.gather [hbm4b:s4+s3], $0x80, v4, vm0, $0xb8;
	[tilespmem:$0x10080] =	vst v63  }
0x111: {  	s15 =	simm.s32 $0xF080  }
0x112: {  	[tilespmem:s15], [sflag:$0x1] =	stream.indirect_vreg.gather [hbm4b:s1+s3], $0x80, v3, vm0, $0xb8;
	[tilespmem:$0x10080] =	vst v63  }
0x113: {  	s15 =	simm.s32 $0xF880  }
0x114: {  	[tilespmem:s15], [sflag:$0x1] =	stream.indirect_vreg.gather [hbm4b:s4+s3], $0x80, v3, vm0, $0xb8;
	[tilespmem:$0x10080] =	vst v63  }
0x115: {  	_ =	swait.ge [sflag:s14], $0x10000  }
0x116: {  	p0 =	sne.s32 s5, $0x1;
	s0 =	simm.s32 $0x80;
	[sflag:s14] =	ssyncset.done $0x0  }
.Ltmp0:
0x117: {  	s15 =	rddreg [dreg:$0x7];
	[sflag:s14] =	ssyncadd.s32 $0xFFFF0000;
	(pc) =	sbr.rel @p0 .LBB2_1-.Ltmp0, $4  }
0x118: {  	[hbm4b:s15+s3] =	stream.linear.scatter [tilespmem:s0], [sflag:$0x2], $0x10000, $0x38;
	[tilespmem:$0x10080] =	vst v63  }
0x119: {  	_ =	swait.ge [sflag:s6], $0x10000  }
0x11a: {  	[sflag:s6] =	ssyncset.done $0x0  }
0x11b: {  	s5 =	sadd.s32 $0xFFFFFFFF, s5;
	[sflag:s6] =	ssyncadd.s32 $0xFFFF0000  }
0x11c: {  	_ =	sfence.sel $0x180000  }
0x11d: {  	[bflag:$0x0] =	sbarrier.arrive $0xFFFF  }
0x11e: {  	_ =	strace $0x90000047  }
0x11f: {  	s0 =	stileid.u32;
	[bflag:$0x2] =	sbarrier.arrive $0xFFFF  }
0x120: {  	p0 =	sne.s32 s0, $0x0;
	s0 =	rddreg [dreg:$0x3]  }
0x121: {  	s0 =	sadd.s32 @!p0 $0x100000, s0  }
0x122: {  	[sflag:s0] =	ssyncadd.tile.s32 @!p0 $0x1;
	_ =	shalt  }
.Lfunc_end2:
_tile_overlayer_lowered:
.L_overlay_start_2:
0x123: {  	(tag) =	ssettag $0x2  }
0x124: {  	s0 =	rddreg [dreg:$0x0];
	s2 =	stileid.u32  }
0x125: {  	s1 =	rddreg [dreg:$0x1];
	p0 =	sne.s32 s2, $0x0  }
0x126: {  	s3 =	rddreg [dreg:$0x2];
	[bflag:$0x3] =	sbarrier.arrive $0xFFFF;
	s2 =	simm.s32 @!p0 $0x1C02  }
0x127: {  	[timem:s3], [sflag:s2] =	dma.local @!p0 [hbm:s0], s1  }
0x128: {  	s0 =	simm.s32 @!p0 $0x2  }
0x129: {  	_ =	swait.ge @!p0 [sflag:s0], s1  }
0x12a: {  	s1 =	ssub.s32 @!p0 $0x0, s1;
	[sflag:s0] =	ssyncset.done @!p0 $0x0  }
0x12b: {  	[sflag:s0] =	ssyncadd.s32 @!p0 s1  }
0x12c: {  	[bflag:$0x3] =	sbarrier.arrive $0xFFFF  }
0x12d: {  	_ =	shalt  }

// kernel: kernel.9.cloned.1.call-start
scs
__scs_entry_jumppad:
0x0: {  	(pc) =	sbr.rel $0x88, $3  }
0x1: {  	(tag) =	ssettag $0x0;
	lr =	simm.s32 $0x1  }
0x2: {  	[smem:$0x3F97] =	sst lr;
	_ =	strace $0xD0000000  }
0x3: {  	_ = 	snop  }
0x4: {  	_ = 	snop  }
0x5: {  	_ = 	snop  }
0x6: {  	_ = 	snop  }
0x7: {  	_ = 	snop  }
__scs_overlays_trampoline_lowered:
0x8: {  	[smem:$0x3FA6] =	sst s0  }
0x9: {  	[smem:$0x3FA7] =	sst s1  }
0xa: {  	[smem:$0x3FA8] =	sst s2  }
0xb: {  	[smem:$0x3FA9] =	sst s3  }
0xc: {  	[smem:$0x3FAA] =	sst s4  }
0xd: {  	[smem:$0x3FAB] =	sst s5  }
0xe: {  	[smem:$0x3FAC] =	sst s6  }
0xf: {  	[smem:$0x3FAD] =	sst s7  }
0x10: {  	[smem:$0x3FAE] =	sst s8  }
0x11: {  	[smem:$0x3FAF] =	sst s9;
	s0 =	simm.s32 @!p0 $0x0  }
0x12: {  	s1 =	sld [smem:$0x3F95];
	s0 =	simm.s32 @p0 $0x1  }
0x13: {  	[smem:$0x3FB0] =	sst s0;
	s0 =	simm.s32 @!p1 $0x0  }
0x14: {  	s2 =	sld [smem:$0x3F94];
	s0 =	simm.s32 @p1 $0x1  }
0x15: {  	[smem:$0x3FB1] =	sst s0;
	s0 =	simm.s32 @!p2 $0x0  }
0x16: {  	s3 =	sld [smem:$0x3FDB];
	s0 =	simm.s32 @p2 $0x1  }
0x17: {  	s4 =	simm.s32 $0x1BF5;
	[smem:$0x3FB3] =	sst s0  }
0x18: {  	s0 =	sld [smem:$0x3F96];
	_ =	swait.ge [sflag:s4], $0x0  }
0x19: {  	s7 =	sld [smem:$0x3F97]  }
0x1a: {  	s8 =	sadd.s32 $0xFFFFE003, lr  }
0x1b: {  	s9 =	sadd.s32 $0xFFFFFEF7, lr;
	s5 =	simm.s32 $0xFFFFFFFF;
	p2 =	slt.u32 s8, $0xFFFFF086  }
0x1c: {  	p1 =	slt.u32 s9, $0xF7A;
	s5 =	simm.s32 @!p2 $0x0  }
0x1d: {  	s5 =	simm.s32 @p1 $0x1;
	p0 =	seq.s32 s7, s2  }
0x1e: {  	s7 =	smul.u32 @!p0 $0xF7A, s2;
	p2 =	seq.s32 @!p0 s5, $0x0  }
0x1f: {  	s9 =	smul.u32 $0xF7A, s1;
	s8 =	simm.s32 @!p0 $0x1BF5;
	p2 =	por !p2, p0  }
0x20: {  	[sflag:s8] =	ssyncset.s32 @!p0 $0xFFFFF086;
	s6 =	sadd.s32 @!p0 s3, s7;
	s7 =	simm.s32 @!p0 $0x108  }
0x21: {  	s3 =	sadd.s32 s3, s9;
	s6 =	sadd.s32 @!p0 $0x88, s6;
	s7 =	simm.s32 @p2 $0x1082  }
0x22: {  	[simem:s7], [sflag:s8] =	dma.local @!p0 [hbm:s6], $0xF7A  }
0x23: {  	s9 =	sor.u32 $0xD0000000, s2;
	s6 =	simm.s32 $0x108;
	_ =	swait.ge @!p0 [sflag:s8], $0x0  }
0x24: {  	s3 =	sadd.s32 $0x88, s3;
	s6 =	simm.s32 @!p1 $0x1082;
	[sflag:s4] =	ssyncset.s32 $0xFFFFF086  }
0x25: {  	[simem:s6], [sflag:s4] =	dma.local [hbm:s3], $0xF7A  }
0x26: {  	[smem:$0x3F97] =	sst s1;
	(tag) =	ssettag s2;
	_ =	strace s9  }
0x27: {  	s1 =	sld [smem:$0x3FA7]  }
0x28: {  	s2 =	sld [smem:$0x3FA8]  }
0x29: {  	s4 =	sld [smem:$0x3FAA]  }
0x2a: {  	p0 =	seq.s32 s5, $0x0;
	s5 =	sld [smem:$0x3FAB]  }
0x2b: {  	s6 =	sld [smem:$0x3FAC]  }
0x2c: {  	s7 =	sld [smem:$0x3FAD]  }
0x2d: {  	s3 =	simm.s32 $0x108;
	s8 =	sld [smem:$0x3FAE]  }
0x2e: {  	s3 =	simm.s32 @!p0 $0x1082;
	s9 =	sld [smem:$0x3FAF]  }
0x2f: {  	lr =	sadd.s32 s0, s3;
	s0 =	sld [smem:$0x3FA6]  }
0x30: {  	s3 =	sld [smem:$0x3FA9]  }
0x31: {  	[smem:$0x3FB2] =	sst s10  }
0x32: {  	s10 =	sld [smem:$0x3FB0];
	_ =	sdelay $0x3  }
0x33: {  	p0 =	seq.s32 s10, $0x1;
	s10 =	sld [smem:$0x3FB2];
	_ =	sdelay $0x3  }
0x34: {  	[smem:$0x3FB2] =	sst s10  }
0x35: {  	s10 =	sld [smem:$0x3FB1];
	_ =	sdelay $0x3  }
0x36: {  	p1 =	seq.s32 s10, $0x1;
	s10 =	sld [smem:$0x3FB2];
	_ =	sdelay $0x3  }
0x37: {  	[smem:$0x3FB2] =	sst s10  }
0x38: {  	s10 =	sld [smem:$0x3FB3]  }
0x39: {  	_ = 	snop;
	(pc) =	sbr.ind lr, $3  }
0x3a: {  	_ = 	snop  }
0x3b: {  	_ = 	snop  }
0x3c: {  	p2 =	seq.s32 s10, $0x1;
	s10 =	sld [smem:$0x3FB2]  }
0x3d: {  	_ =	shalt  }
0x3e: {  	_ =	shalt  }
0x3f: {  	_ =	shalt  }
0x40: {  	_ =	shalt  }
0x41: {  	_ =	shalt  }
0x42: {  	_ =	shalt  }
0x43: {  	_ =	shalt  }
0x44: {  	_ =	shalt  }
0x45: {  	_ =	shalt  }
0x46: {  	_ =	shalt  }
0x47: {  	_ =	shalt  }
0x48: {  	_ =	shalt  }
0x49: {  	_ =	shalt  }
0x4a: {  	_ =	shalt  }
0x4b: {  	_ =	shalt  }
0x4c: {  	_ =	shalt  }
0x4d: {  	_ =	shalt  }
0x4e: {  	_ =	shalt  }
0x4f: {  	_ =	shalt  }
0x50: {  	_ =	shalt  }
0x51: {  	_ =	shalt  }
0x52: {  	_ =	shalt  }
0x53: {  	_ =	shalt  }
0x54: {  	_ =	shalt  }
0x55: {  	_ =	shalt  }
0x56: {  	_ =	shalt  }
0x57: {  	_ =	shalt  }
0x58: {  	_ =	shalt  }
0x59: {  	_ =	shalt  }
0x5a: {  	_ =	shalt  }
0x5b: {  	_ =	shalt  }
0x5c: {  	_ =	shalt  }
0x5d: {  	_ =	shalt  }
0x5e: {  	_ =	shalt  }
0x5f: {  	_ =	shalt  }
0x60: {  	_ =	shalt  }
0x61: {  	_ =	shalt  }
0x62: {  	_ =	shalt  }
0x63: {  	_ =	shalt  }
0x64: {  	_ =	shalt  }
0x65: {  	_ =	shalt  }
0x66: {  	_ =	shalt  }
0x67: {  	_ =	shalt  }
0x68: {  	_ =	shalt  }
0x69: {  	_ =	shalt  }
0x6a: {  	_ =	shalt  }
0x6b: {  	_ =	shalt  }
0x6c: {  	_ =	shalt  }
0x6d: {  	_ =	shalt  }
0x6e: {  	_ =	shalt  }
0x6f: {  	_ =	shalt  }
0x70: {  	_ =	shalt  }
0x71: {  	_ =	shalt  }
0x72: {  	_ =	shalt  }
0x73: {  	_ =	shalt  }
0x74: {  	_ =	shalt  }
0x75: {  	_ =	shalt  }
0x76: {  	_ =	shalt  }
0x77: {  	_ =	shalt  }
0x78: {  	_ =	shalt  }
0x79: {  	_ =	shalt  }
0x7a: {  	_ =	shalt  }
0x7b: {  	_ =	shalt  }
0x7c: {  	_ =	shalt  }
0x7d: {  	_ =	shalt  }
0x7e: {  	_ =	shalt  }
0x7f: {  	_ =	shalt  }
0x80: {  	_ =	shalt  }
0x81: {  	_ =	shalt  }
0x82: {  	_ =	shalt  }
0x83: {  	_ =	shalt  }
0x84: {  	_ =	shalt  }
0x85: {  	_ =	shalt  }
0x86: {  	_ =	shalt  }
0x87: {  	_ =	shalt  }
.Lfunc_end0:
.L_simem_size_0:
called_computation.1_lowered:
.L_overlay_start_0:
0x88: {  	s2 =	sld [smem:$0x3FD9]  }
0x89: {  	s3 =	sld [smem:$0x3FFE];
	_ =	sdelay $0x1  }
0x8a: {  	s1 =	srdreg.scid  }
0x8b: {  	s0 =	sand.u32 $0x1, s1  }
0x8c: {  	s15 =	sshll.u32 s0, $0xA;
	s2 =	sadd.s32 s3, s2  }
0x8d: {  	s2 =	sadd.s32 s2, s15  }
0x8e: {  	[smem:$0x3FBE] =	sst s2  }
0x8f: {  	_ = 	snop  }
0x90: {  	s2 =	sld [smem:$0x3FD0];
	_ =	sdelay $0x2  }
0x91: {  	s16 =	simm.s32 $0xB;
	s4 =	simm.s32 $0x10  }
0x92: {  	[smem:s4], [sflag:s16] =	dma.local [hbm:s2], $0x1  }
0x93: {  	_ =	swait.eq [sflag:s16], $0x1  }
0x94: {  	[sflag:s16] =	ssyncset.done $0x0  }
0x95: {  	[sflag:s16] =	ssyncadd.s32 $0xFFFFFFFF  }
0x96: {  	s17 =	sld [smem:$0x10];
	(tm) =	ssettm $0x1  }
0x97: {  	s18 =	sld [smem:$0x3FFB];
	_ =	sdelay $0x3  }
0x98: {  	_ =	strace s18  }
0x99: {  	s2 =	sld [smem:$0x3FFC];
	_ =	sdelay $0x3  }
0x9a: {  	_ =	strace s2  }
0x9b: {  	s2 =	sld [smem:$0x3FFD];
	_ =	sdelay $0x3  }
0x9c: {  	_ =	strace s2  }
0x9d: {  	_ =	strace $0x8FFFFFFF  }
0x9e: {  	s19 =	sld [smem:$0x3FDB];
	_ =	sdelay $0x1  }
0x9f: {  	s20 =	simm.s32 $_scs_section_size  }
0xa0: {  	s5 =	simm.s32 $_size__tile_overlayer_lowered;
	s6 =	simm.s32 $_tile_overlayer_lowered  }
0xa1: {  	s7 =	simm.s32 $0x1BFF;
	s21 =	sshll.u32 s6, $0x1;
	s4 =	sadd.s32 s20, s19  }
0xa2: {  	s22 =	simm.s32 $0x0;
	s5 =	sshll.u32 s5, $0x1;
	s6 =	sadd.s32 s21, s4  }
0xa3: {  	[timem:s22], [sflag:s7] =	dma.local [hbm:s6], s5  }
0xa4: {  	_ =	swait.ge [sflag:s7], s5  }
0xa5: {  	s5 =	ssub.s32 $0x0, s5;
	[sflag:s7] =	ssyncset.done $0x0  }
0xa6: {  	[sflag:s7] =	ssyncadd.s32 s5;
	_ =	sdelay $0x1  }
0xa7: {  	s23 =	simm.s32 $0x1B8B  }
0xa8: {  	_ =	swait.ge [sflag:s23], $0x1  }
0xa9: {  	[sflag:s23] =	ssyncset.done $0x0  }
0xaa: {  	[sflag:s23] =	ssyncadd.s32 $0xFFFFFFFF  }
0xab: {  	s5 =	sld [smem:$0x0]  }
0xac: {  	s6 =	sand.u32 $0xFFFFFFFE, s1  }
0xad: {  	p0 =	sne.s32 s1, s6  }
0xae: {  	s6 =	sshll.u32 @p0 s6, $0xE  }
0xaf: {  	s6 =	sadd.s32 @p0 $0x11B8D, s6;
	s7 =	sshll.u32 @p0 s5, $0x11  }
0xb0: {  	s6 =	sor.u32 @p0 s7, s6  }
0xb1: {  	[sflag:s6] =	ssyncadd.remote.s32 @p0 $0x1;
	_ =	sdelay $0x1  }
0xb2: {  	s6 =	simm.s32 @p0 $0x1B8D  }
0xb3: {  	_ =	swait.eq @p0 [sflag:s6], $0x1  }
0xb4: {  	[sflag:s6] =	ssyncadd.s32 @p0 $0xFFFFFFFF  }
0xb5: {  	s7 =	sshll.u32 @!p0 s1, $0xE  }
0xb6: {  	s7 =	sor.u32 @!p0 $0x4000, s7;
	s6 =	simm.s32 @!p0 $0x1B8D  }
0xb7: {  	s5 =	sshll.u32 @!p0 s5, $0x11;
	s7 =	sadd.s32 @!p0 $0x11B8D, s7;
	_ =	swait.eq @!p0 [sflag:s6], $0x1  }
0xb8: {  	s5 =	sor.u32 @!p0 s5, s7;
	[sflag:s6] =	ssyncadd.s32 @!p0 $0xFFFFFFFF  }
0xb9: {  	s25 =	simm.s32 $0x1B8E;
	s24 =	sld [smem:$0x3FFE];
	[sflag:s5] =	ssyncadd.remote.s32 @!p0 $0x1  }
0xba: {  	s26 =	simm.s32 $execute0_lowered;
	[smem:$0x3FD2] =	sst s25  }
0xbb: {  	s6 =	sshll.u32 s26, $0x1;
	_ =	strace $0x80000049;
	[dreg:$0x1] =	wrdreg $0xFFFFFFFF  }
0xbc: {  	s28 =	simm.s32 $_size_execute0_lowered;
	s4 =	sadd.s32 s4, s6;
	[dreg:$0x0] =	wrdreg $0x0  }
0xbd: {  	s6 =	sshll.u32 s28, $0x1;
	[dreg:$0x2] =	wrdreg s4  }
0xbe: {  	[dreg:$0x3] =	wrdreg s6  }
0xbf: {  	[dreg:$0x4] =	wrdreg $0xC0  }
0xc0: {  	_ =	task [dreg:s22], $0x5FFFF  }
0xc1: {  	[dreg:$0x1] =	wrdreg $0xFFFFFFFF  }
0xc2: {  	[dreg:$0x0] =	wrdreg $0x60  }
0xc3: {  	[dreg:$0x2] =	wrdreg s24  }
0xc4: {  	[dreg:$0x3] =	wrdreg s17  }
0xc5: {  	[dreg:$0x4] =	wrdreg $0xA  }
0xc6: {  	_ =	task.clear_ibuf [dreg:s22], $0x5FFFF;
	_ =	strace $0x90000049  }
0xc7: {  	s29 =	simm.s32 $0xA;
	_ =	strace $0x8000004B  }
0xc8: {  	_ =	swait.ge [sflag:s29], $0x1  }
0xc9: {  	[sflag:s29] =	ssyncadd.s32 $0xFFFFFFFF  }
0xca: {  	_ =	strace $0x9000004B  }
0xcb: {  	_ =	sfence  }
0xcc: {  	s30 =	sld [smem:$0x0];
	_ =	sdelay $0x2  }
0xcd: {  	s31 =	sshll.u32 s1, $0xD;
	s1 =	sshrl.u32 s1, $0x2  }
0xce: {  	s4 =	sand.u32 $0x4000, s31;
	s1 =	sadd.s32 s1, s30  }
0xcf: {  	s0 =	sor.u32 s4, s0;
	s1 =	sshll.u32 s1, $0x11  }
0xd0: {  	s0 =	sor.u32 s1, s0  }
0xd1: {  	s0 =	sadd.s32 $0x8F2B, s0  }
0xd2: {  	[sflag:s0] =	ssyncadd.remote.s32 $0x1  }
0xd3: {  	_ =	sfence.sel $0xFFFF  }
0xd4: {  	[dreg:$0x0] =	wrdreg $0xFFFFFFFF;
	(pc) =	sbr.abs _section_cstart, $3  }
0xd5: {  	[dreg:$0x1] =	wrdreg $0xFFFFFFFF  }
0xd6: {  	_ =	task.clear_ibuf [dreg:s22], $0x2FFFF;
	_ =	strace $0x9FFFFFFF  }
0xd7: {  	(tm) =	ssettm $0x7FFFFFFF  }
tec
execute0_lowered:
.L_overlay_start_1:
0x0: {  	(tag) =	ssettag $0x1  }
0x1: {  	s1 =	srdreg.scid  }
0x2: {  	s8 =	rddreg [dreg:$0x0];
	s0 =	stileid.u32  }
0x3: {  	s3 =	rddreg [dreg:$0x1];
	s2 =	simm.s32 $0x0;
	s6 =	sand.u32 $0x1, s1  }
0x4: {  	s4 =	sshll.u32 s0, $0x9;
	s1 =	rddreg [dreg:$0x2];
	s5 =	sshll.u32 s6, $0x8  }
0x5: {  	s7 =	simm.s32 $0x1;
	[smem:$0x7FF] =	sst s2;
	s9 =	sor.u32 s5, s4  }
0x6: {  	_ =	strace $0x8000004A;
	s10 =	ssub.s32 $0x2, s6;
	s4 =	sshrl.u32 s9, $0x3  }
0x7: {  	s6 =	simm.s32 $0x100;
	s4 =	sadd.s32 s3, s4;
	s3 =	simm.s32 $0x2  }
0x8: {  	[tilespmem:s2], [sflag:$0x2] =	stream.linear.gather [hbm4b:s4+s2], $0x100, $0x38;
	[tilespmem:$0x8100] =	vst v63  }
0x9: {  	s5 =	sadd.s32 $0x82600, s8;
	s11 =	sshrl.u32 s10, $0x1;
	_ =	swait.ge [sflag:s3], $0x100  }
0xa: {  	s9 =	sshll.u32 s9, $0x4;
	s31 =	ssub.s32 s10, s11;
	[sflag:s3] =	ssyncset.done $0x0  }
0xb: {  	s8 =	sadd.s32 s9, s8;
	s9 =	smax.u32 s31, $0x1;
	[sflag:s3] =	ssyncadd.s32 $0xFFFFFF00  }
0xc: {  	[tilespmem:s6], [sflag:$0x1] =	stream.indirect.gather [hbm4b:s5+s6], $0x80, s2, s6, $0xb8;
	[tilespmem:$0x8100] =	vst v63  }
0xd: {  	p0 =	sne.s32 s9, $0x1;
	_ =	swait.ge [sflag:s7], $0x8000  }
.Ltmp0:
0xe: {  	[sflag:s7] =	ssyncset.done $0x0;
	(pc) =	sbr.rel @!p0 .LBB2_2-.Ltmp0, $4  }
0xf: {  	s8 =	sadd.s32 $0xA2600, s8;
	[sflag:s7] =	ssyncadd.s32 $0xFFFF8000  }
0x10: {  	[hbm4b:s8+s2] =	stream.linear.scatter [tilespmem:s6], [sflag:$0x2], $0x8000, $0x38;
	[tilespmem:$0x8100] =	vst v63  }
0x11: {  	_ =	swait.ge [sflag:s3], $0x8000  }
0x12: {  	s9 =	sadd.s32 $0xFFFFFFFF, s9;
	[sflag:s3] =	ssyncset.done $0x0  }
.LBB2_1:
0x13: {  	p0 =	sne.s32 s9, $0x1;
	s9 =	sadd.s32 $0xFFFFFFFF, s9;
	[sflag:s3] =	ssyncadd.s32 $0xFFFF8000  }
0x14: {  	[tilespmem:s2], [sflag:$0x2] =	stream.linear.gather [hbm4b:s4+s2], $0x100, $0x38;
	[tilespmem:$0x8100] =	vst v63  }
0x15: {  	_ =	swait.ge [sflag:s3], $0x100  }
0x16: {  	[sflag:s3] =	ssyncset.done $0x0  }
0x17: {  	[sflag:s3] =	ssyncadd.s32 $0xFFFFFF00  }
0x18: {  	[tilespmem:s6], [sflag:$0x1] =	stream.indirect.gather [hbm4b:s5+s6], $0x80, s2, s6, $0xb8;
	[tilespmem:$0x8100] =	vst v63  }
0x19: {  	_ =	swait.ge [sflag:s7], $0x8000  }
.Ltmp1:
0x1a: {  	[sflag:s7] =	ssyncset.done $0x0;
	(pc) =	sbr.rel @p0 .LBB2_1-.Ltmp1, $4  }
0x1b: {  	[sflag:s7] =	ssyncadd.s32 $0xFFFF8000  }
0x1c: {  	[hbm4b:s8+s2] =	stream.linear.scatter [tilespmem:s6], [sflag:$0x2], $0x8000, $0x38;
	[tilespmem:$0x8100] =	vst v63  }
0x1d: {  	_ =	swait.ge [sflag:s3], $0x8000  }
0x1e: {  	[sflag:s3] =	ssyncset.done $0x0  }
.LBB2_2:
0x1f: {  	[sflag:s3] =	ssyncadd.s32 $0xFFFF8000  }
0x20: {  	_ =	sfence.sel $0x180000  }
0x21: {  	[bflag:$0x0] =	sbarrier.arrive $0xFFFF  }
0x22: {  	p0 =	sne.s32 s0, $0x0;
	_ =	strace $0x9000004A  }
0x23: {  	s0 =	sadd.s32 @!p0 $0x100000, s1;
	[bflag:$0x2] =	sbarrier.arrive $0xFFFF  }
0x24: {  	[sflag:s0] =	ssyncadd.tile.s32 @!p0 $0x1;
	_ =	shalt  }
.Lfunc_end2:
_tile_overlayer_lowered:
.L_overlay_start_2:
0x25: {  	(tag) =	ssettag $0x2  }
0x26: {  	s0 =	rddreg [dreg:$0x0];
	s2 =	stileid.u32  }
0x27: {  	s1 =	rddreg [dreg:$0x1];
	p0 =	sne.s32 s2, $0x0  }
0x28: {  	s3 =	rddreg [dreg:$0x2];
	[bflag:$0x3] =	sbarrier.arrive $0xFFFF;
	s2 =	simm.s32 @!p0 $0x1C02  }
0x29: {  	[timem:s3], [sflag:s2] =	dma.local @!p0 [hbm:s0], s1  }
0x2a: {  	s0 =	simm.s32 @!p0 $0x2  }
0x2b: {  	_ =	swait.ge @!p0 [sflag:s0], s1  }
0x2c: {  	s1 =	ssub.s32 @!p0 $0x0, s1;
	[sflag:s0] =	ssyncset.done @!p0 $0x0  }
0x2d: {  	[sflag:s0] =	ssyncadd.s32 @!p0 s1  }
0x2e: {  	[bflag:$0x3] =	sbarrier.arrive $0xFFFF  }
0x2f: {  	_ =	shalt  }

</sc_bundles>
